<compile_context>
chip_gen: v7x
topology: tpu7x:2x2x1
jax: 0.10.2.dev20260603
libtpu: 0.0.44.dev20260713+nightly
codegen_flags: <defaults>
</compile_context>

<pallas_src>
import jax
import jax.numpy as jnp
from jax import lax
from jax.experimental import pallas as pl
from jax.experimental.pallas import tpu as pltpu
from jax.experimental.pallas import tpu_sc as plsc

N = 36
D = 8
NV = (N * D) // 16
INV_DEG = 1.0 / float(N - 1)

_f32 = jnp.float32
_i32 = jnp.int32

_DNUMS = lax.GatherDimensionNumbers(
    offset_dims=(), collapsed_slice_dims=(0,), start_index_map=(0,))


def _tk(v, idx):
  return lax.gather(v, idx[:, None], dimension_numbers=_DNUMS,
                    slice_sizes=(1,),
                    mode=lax.GatherScatterMode.PROMISE_IN_BOUNDS)


def _body(x_hbm, wl_hbm, b_hbm, wr_hbm, out_hbm, x_v, wl_v, wr_v, b_v, out_v,
          sem, xsem):
  c = lax.axis_index("c")
  s = lax.axis_index("s")

  @pl.when(jnp.logical_and(c == 0, s == 0))
  def _():
    x_copy = pltpu.async_copy(x_hbm, x_v, xsem)
    copies = [
        pltpu.async_copy(wl_hbm, wl_v, sem),
        pltpu.async_copy(wr_hbm, wr_v, sem),
        pltpu.async_copy(b_hbm, b_v.at[pl.ds(0, 8)], sem),
    ]
    for cp in copies:
      cp.wait()

    iota = lax.iota(_i32, 16)
    m8 = iota % 8
    half8 = iota - m8
    zero = iota - iota

    sel_lo = [m8 == 2 * sv for sv in range(4)]
    sel_hi = [m8 == 2 * sv + 1 for sv in range(4)]
    sel_or = [jnp.logical_or(sel_lo[sv], sel_hi[sv]) for sv in range(4)]
    colidx = {}
    for sv in range(4):
      for k in range(D):
        colidx[(sv, k)] = (jnp.where(sel_lo[sv], k, 0)
                           + jnp.where(sel_hi[sv], k + 8, 0))

    def col_dup(wv, k):
      res = _tk(wv[3], colidx[(3, k)])
      for sv in (2, 1, 0):
        res = jnp.where(sel_or[sv], _tk(wv[sv], colidx[(sv, k)]), res)
      return res

    wl = [wl_v[pl.ds(16 * m, 16)] for m in range(4)]
    wr = [wr_v[pl.ds(16 * m, 16)] for m in range(4)]
    b2 = _tk(b_v[...], m8)

    av = [wr[m] - wl[m] * INV_DEG for m in range(4)]
    a_col = [col_dup(av, k) for k in range(D)]
    wl_col = [col_dup(wl, k) for k in range(D)]

    x_copy.wait()

    def sum_body(t, tot):
      return tot + x_v[pl.ds(pl.multiple_of(16 * t, 16), 16)]
    tot = lax.fori_loop(1, NV, sum_body, x_v[pl.ds(0, 16)])
    s8 = tot + _tk(tot, m8 + 8)
    s_dup = _tk(s8, m8)

    rv = b2
    for k in range(D):
      sk = _tk(s_dup, zero + k)
      rv = rv + sk * wl_col[k] * INV_DEG

    xbidx = [half8 + k for k in range(D)]

    def row_body(t, carry):
      base = pl.multiple_of(16 * t, 16)
      xt = x_v[pl.ds(base, 16)]
      acc = rv
      for k in range(D):
        acc = acc + _tk(xt, xbidx[k]) * a_col[k]
      out_v[pl.ds(base, 16)] = acc
      return carry
    lax.fori_loop(0, NV, row_body, 0)

    pltpu.sync_copy(out_v, out_hbm)


_sc_call = pl.kernel(
    _body,
    out_type=jax.ShapeDtypeStruct((N * D,), _f32),
    mesh=plsc.VectorSubcoreMesh(core_axis_name="c", subcore_axis_name="s",
                                num_cores=1, num_subcores=1),
    scratch_types=[
        pltpu.VMEM((N * D,), _f32),
        pltpu.VMEM((D * D,), _f32),
        pltpu.VMEM((D * D,), _f32),
        pltpu.VMEM((16,), _f32),
        pltpu.VMEM((N * D,), _f32),
        pltpu.SemaphoreType.DMA,
        pltpu.SemaphoreType.DMA,
    ],
)


def kernel(x, W_l, b_l, W_r):
  out_flat = _sc_call(x.reshape(N * D), W_l.reshape(D * D), b_l,
                      W_r.reshape(D * D))
  return out_flat.reshape(N, D)

# --- scband reference (transcript-rebuilt; emitter-appended) ---
"""Pipeline reference for scband-gnn-capsule-layer-89747636617734 (READ-ONLY COPY).

The authoritative reference and input builder live on the scoring server;
editing this copy changes nothing except your own understanding.
"""

import jax, jax.numpy as jnp
import numpy as np

N_NODES = 36
D = 8

def _edge_index():
    # Faithful to the torch code: get_neighbour_adj_matrix actually RETURNS the
    # each-to-each edge_index (all ordered pairs i != j), because it returns
    # `adj = get_each_to_each_adj_matrix(nodes_number)`, which is already the
    # transposed nonzero index of (ones - eye). The neighbour computation is dead code.
    pairs = np.array([(i, j) for i in range(N_NODES) for j in range(N_NODES) if i != j], dtype=np.int64).T
    return jnp.asarray(pairs)  # shape (2, 1260)

def setup_inputs(seed: int = 0) -> dict:
    key = jax.random.key(seed)
    k1, k2, k3 = jax.random.split(key, 3)
    x = jax.random.normal(k1, (N_NODES, D), dtype=jnp.float32)
    # SAGEConv(in_channels=8, out_channels=8) parameters:
    # lin_l: Linear(8, 8, bias=True) applied to aggregated neighbour mean
    # lin_r: Linear(8, 8, bias=False) applied to root features
    W_l = jax.random.normal(k2, (D, D), dtype=jnp.float32) * (1.0 / np.sqrt(D))
    b_l = jnp.zeros((D,), dtype=jnp.float32)
    W_r = jax.random.normal(k3, (D, D), dtype=jnp.float32) * (1.0 / np.sqrt(D))
    return {"x": x, "W_l": W_l, "b_l": b_l, "W_r": W_r}

def reference(x, W_l, b_l, W_r):
    edge_index = _edge_index()
    src, dst = edge_index[0], edge_index[1]
    # message passing: gather source features, mean-aggregate at destination
    msgs = jnp.take(x, src, axis=0)
    sums = jax.ops.segment_sum(msgs, dst, num_segments=N_NODES)
    counts = jax.ops.segment_sum(jnp.ones((src.shape[0],), dtype=jnp.float32), dst, num_segments=N_NODES)
    mean_aggr = sums / jnp.clip(counts, 1.0)[:, None]
    # SAGEConv: out = lin_l(mean_aggr) + lin_r(x)
    out = mean_aggr @ W_l.T + b_l + x @ W_r.T
    return out

if __name__ == "__main__":
    import jax
    _d = setup_inputs()
    print(jax.jit(kernel)(*tuple(_d.values())))

</pallas_src>

<mosaic_0001>
#map = affine_map<(d0, d1) -> (0)>
module attributes {stable_mosaic.version = 14 : i64} {
  func.func @_body(%arg0: i32, %arg1: i32, %arg2: memref<288xf32, #tpu.memory_space<hbm>>, %arg3: memref<64xf32, #tpu.memory_space<hbm>>, %arg4: memref<8xf32, #tpu.memory_space<hbm>>, %arg5: memref<64xf32, #tpu.memory_space<hbm>>, %arg6: memref<288xf32, #tpu.memory_space<hbm>>, %arg7: memref<288xf32, #tpu.memory_space<vmem>>, %arg8: memref<64xf32, #tpu.memory_space<vmem>>, %arg9: memref<64xf32, #tpu.memory_space<vmem>>, %arg10: memref<16xf32, #tpu.memory_space<vmem>>, %arg11: memref<288xf32, #tpu.memory_space<vmem>>, %arg12: memref<!tpu.dma_semaphore, #tpu.memory_space<semaphore_mem>>, %arg13: memref<!tpu.dma_semaphore, #tpu.memory_space<semaphore_mem>>) attributes {dimension_semantics = [#tpu.dimension_semantics<core_parallel>, #tpu.dimension_semantics<subcore_parallel>], iteration_bounds = array<i64: 1, 1>, scalar_prefetch = 0 : i64, scratch_operands = 7 : i64, tpu.core_type = #tpu.core_type<sc_vector_subcore>, window_params = [{transform_indices = #map}, {transform_indices = #map}, {transform_indices = #map}, {transform_indices = #map}, {transform_indices = #map}]} {
    %eq3A = arith.constant 0 : i32
    %eq3A_0 = arith.cmpi eq, %arg0, %eq3A : i32
    %eq3A_1 = arith.constant 0 : i32
    %eq3A_2 = arith.cmpi eq, %arg1, %eq3A_1 : i32
    %and3A = arith.andi %eq3A_0, %eq3A_2 : i1
    %convert_element_type3A = arith.extui %and3A : i1 to i32
    %cond3A = arith.constant 0 : i32
    %cond3A_3 = arith.cmpi ne, %convert_element_type3A, %cond3A : i32
    scf.if %cond3A_3 {
      tpu.enqueue_dma source(%arg2 : memref<288xf32, #tpu.memory_space<hbm>>) target(%arg7 : memref<288xf32, #tpu.memory_space<vmem>>) target_semaphore(%arg13 : memref<!tpu.dma_semaphore, #tpu.memory_space<semaphore_mem>>)
      tpu.enqueue_dma source(%arg3 : memref<64xf32, #tpu.memory_space<hbm>>) target(%arg8 : memref<64xf32, #tpu.memory_space<vmem>>) target_semaphore(%arg12 : memref<!tpu.dma_semaphore, #tpu.memory_space<semaphore_mem>>)
      tpu.enqueue_dma source(%arg5 : memref<64xf32, #tpu.memory_space<hbm>>) target(%arg9 : memref<64xf32, #tpu.memory_space<vmem>>) target_semaphore(%arg12 : memref<!tpu.dma_semaphore, #tpu.memory_space<semaphore_mem>>)
      %dma_start3A = arith.constant 0 : i32
      %dma_start3A_4 = tpu.memref_slice %arg10[%dma_start3A] : memref<16xf32, #tpu.memory_space<vmem>> -> memref<8xf32, #tpu.memory_space<vmem>>
      %dma_start3A_5 = arith.constant 0 : i32
      %dma_start3A_6 = tpu.memref_slice %arg10[%dma_start3A_5] : memref<16xf32, #tpu.memory_space<vmem>> -> memref<8xf32, #tpu.memory_space<vmem>>
      tpu.enqueue_dma source(%arg4 : memref<8xf32, #tpu.memory_space<hbm>>) target(%dma_start3A_6 : memref<8xf32, #tpu.memory_space<vmem>>) target_semaphore(%arg12 : memref<!tpu.dma_semaphore, #tpu.memory_space<semaphore_mem>>)
      tpu.wait_dma2 semaphore(%arg12 : memref<!tpu.dma_semaphore, #tpu.memory_space<semaphore_mem>>) src(%arg3 : memref<64xf32, #tpu.memory_space<hbm>>) dst(%arg8 : memref<64xf32, #tpu.memory_space<vmem>>)
      tpu.wait_dma2 semaphore(%arg12 : memref<!tpu.dma_semaphore, #tpu.memory_space<semaphore_mem>>) src(%arg5 : memref<64xf32, #tpu.memory_space<hbm>>) dst(%arg9 : memref<64xf32, #tpu.memory_space<vmem>>)
      %dma_wait3A = arith.constant 0 : i32
      %dma_wait3A_7 = tpu.memref_slice %arg10[%dma_wait3A] : memref<16xf32, #tpu.memory_space<vmem>> -> memref<8xf32, #tpu.memory_space<vmem>>
      %dma_wait3A_8 = arith.constant 0 : i32
      %dma_wait3A_9 = tpu.memref_slice %arg10[%dma_wait3A_8] : memref<16xf32, #tpu.memory_space<vmem>> -> memref<8xf32, #tpu.memory_space<vmem>>
      tpu.wait_dma2 semaphore(%arg12 : memref<!tpu.dma_semaphore, #tpu.memory_space<semaphore_mem>>) src(%arg4 : memref<8xf32, #tpu.memory_space<hbm>>) dst(%dma_wait3A_9 : memref<8xf32, #tpu.memory_space<vmem>>)
      %iota3A = tpu.iota {dimensions = array<i32: 0>} : vector<16xi32>
      %jit3A = arith.constant 8 : i32
      %eq3A_10 = arith.constant 0 : i32
      %eq3A_11 = arith.cmpi eq, %jit3A, %eq3A_10 : i32
      %jit3A_12 = arith.constant 1 : i32
      %select_n3A = arith.select %eq3A_11, %jit3A_12, %jit3A : i32
      %rem3A = vector.broadcast %select_n3A : i32 to vector<16xi32>
      %rem3A_13 = arith.remsi %iota3A, %rem3A : vector<16xi32>
      %ne3A = arith.constant 0 : i32
      %ne3A_14 = vector.broadcast %ne3A : i32 to vector<16xi32>
      %ne3A_15 = arith.cmpi ne, %rem3A_13, %ne3A_14 : vector<16xi32>
      %lt3A = arith.constant 0 : i32
      %lt3A_16 = vector.broadcast %lt3A : i32 to vector<16xi32>
      %lt3A_17 = arith.cmpi slt, %rem3A_13, %lt3A_16 : vector<16xi32>
      %lt3A_18 = arith.constant 0 : i32
      %lt3A_19 = arith.cmpi slt, %select_n3A, %lt3A_18 : i32
      %ne3A_20 = vector.broadcast %lt3A_19 : i1 to vector<16xi1>
      %ne3A_21 = vector.broadcast %ne3A_20 : vector<16xi1> to vector<16xi1>
      %ne3A_22 = arith.xori %lt3A_17, %ne3A_21 : vector<16xi1>
      %and3A_23 = arith.andi %ne3A_22, %ne3A_15 : vector<16xi1>
      %add3A = vector.broadcast %select_n3A : i32 to vector<16xi32>
      %add3A_24 = arith.addi %rem3A_13, %add3A : vector<16xi32>
      %select_n3A_25 = arith.select %and3A_23, %add3A_24, %rem3A_13 : vector<16xi1>, vector<16xi32>
      %sub3A = arith.subi %iota3A, %select_n3A_25 : vector<16xi32>
      %sub3A_26 = arith.subi %iota3A, %iota3A : vector<16xi32>
      %eq3A_27 = arith.constant 0 : i32
      %eq3A_28 = vector.broadcast %eq3A_27 : i32 to vector<16xi32>
      %eq3A_29 = arith.cmpi eq, %select_n3A_25, %eq3A_28 : vector<16xi32>
      %eq3A_30 = arith.constant 2 : i32
      %eq3A_31 = vector.broadcast %eq3A_30 : i32 to vector<16xi32>
      %eq3A_32 = arith.cmpi eq, %select_n3A_25, %eq3A_31 : vector<16xi32>
      %eq3A_33 = arith.constant 4 : i32
      %eq3A_34 = vector.broadcast %eq3A_33 : i32 to vector<16xi32>
      %eq3A_35 = arith.cmpi eq, %select_n3A_25, %eq3A_34 : vector<16xi32>
      %eq3A_36 = arith.constant 6 : i32
      %eq3A_37 = vector.broadcast %eq3A_36 : i32 to vector<16xi32>
      %eq3A_38 = arith.cmpi eq, %select_n3A_25, %eq3A_37 : vector<16xi32>
      %eq3A_39 = arith.constant 1 : i32
      %eq3A_40 = vector.broadcast %eq3A_39 : i32 to vector<16xi32>
      %eq3A_41 = arith.cmpi eq, %select_n3A_25, %eq3A_40 : vector<16xi32>
      %eq3A_42 = arith.constant 3 : i32
      %eq3A_43 = vector.broadcast %eq3A_42 : i32 to vector<16xi32>
      %eq3A_44 = arith.cmpi eq, %select_n3A_25, %eq3A_43 : vector<16xi32>
      %eq3A_45 = arith.constant 5 : i32
      %eq3A_46 = vector.broadcast %eq3A_45 : i32 to vector<16xi32>
      %eq3A_47 = arith.cmpi eq, %select_n3A_25, %eq3A_46 : vector<16xi32>
      %eq3A_48 = arith.constant 7 : i32
      %eq3A_49 = vector.broadcast %eq3A_48 : i32 to vector<16xi32>
      %eq3A_50 = arith.cmpi eq, %select_n3A_25, %eq3A_49 : vector<16xi32>
      %or3A = arith.ori %eq3A_29, %eq3A_41 : vector<16xi1>
      %or3A_51 = arith.ori %eq3A_32, %eq3A_44 : vector<16xi1>
      %or3A_52 = arith.ori %eq3A_35, %eq3A_47 : vector<16xi1>
      %or3A_53 = arith.ori %eq3A_38, %eq3A_50 : vector<16xi1>
      %jit3A_54 = arith.constant 0 : i32
      %jit3A_55 = arith.constant 0 : i32
      %broadcast_in_dim3A = vector.broadcast %jit3A_54 : i32 to vector<16xi32>
      %broadcast_in_dim3A_56 = vector.broadcast %jit3A_55 : i32 to vector<16xi32>
      %select_n3A_57 = arith.select %eq3A_29, %broadcast_in_dim3A, %broadcast_in_dim3A_56 : vector<16xi1>, vector<16xi32>
      %jit3A_58 = arith.constant 8 : i32
      %jit3A_59 = arith.constant 0 : i32
      %broadcast_in_dim3A_60 = vector.broadcast %jit3A_58 : i32 to vector<16xi32>
      %broadcast_in_dim3A_61 = vector.broadcast %jit3A_59 : i32 to vector<16xi32>
      %select_n3A_62 = arith.select %eq3A_41, %broadcast_in_dim3A_60, %broadcast_in_dim3A_61 : vector<16xi1>, vector<16xi32>
      %add3A_63 = arith.addi %select_n3A_57, %select_n3A_62 : vector<16xi32>
      %jit3A_64 = arith.constant 1 : i32
      %jit3A_65 = arith.constant 0 : i32
      %broadcast_in_dim3A_66 = vector.broadcast %jit3A_64 : i32 to vector<16xi32>
      %broadcast_in_dim3A_67 = vector.broadcast %jit3A_65 : i32 to vector<16xi32>
      %select_n3A_68 = arith.select %eq3A_29, %broadcast_in_dim3A_66, %broadcast_in_dim3A_67 : vector<16xi1>, vector<16xi32>
      %jit3A_69 = arith.constant 9 : i32
      %jit3A_70 = arith.constant 0 : i32
      %broadcast_in_dim3A_71 = vector.broadcast %jit3A_69 : i32 to vector<16xi32>
      %broadcast_in_dim3A_72 = vector.broadcast %jit3A_70 : i32 to vector<16xi32>
      %select_n3A_73 = arith.select %eq3A_41, %broadcast_in_dim3A_71, %broadcast_in_dim3A_72 : vector<16xi1>, vector<16xi32>
      %add3A_74 = arith.addi %select_n3A_68, %select_n3A_73 : vector<16xi32>
      %jit3A_75 = arith.constant 2 : i32
      %jit3A_76 = arith.constant 0 : i32
      %broadcast_in_dim3A_77 = vector.broadcast %jit3A_75 : i32 to vector<16xi32>
      %broadcast_in_dim3A_78 = vector.broadcast %jit3A_76 : i32 to vector<16xi32>
      %select_n3A_79 = arith.select %eq3A_29, %broadcast_in_dim3A_77, %broadcast_in_dim3A_78 : vector<16xi1>, vector<16xi32>
      %jit3A_80 = arith.constant 10 : i32
      %jit3A_81 = arith.constant 0 : i32
      %broadcast_in_dim3A_82 = vector.broadcast %jit3A_80 : i32 to vector<16xi32>
      %broadcast_in_dim3A_83 = vector.broadcast %jit3A_81 : i32 to vector<16xi32>
      %select_n3A_84 = arith.select %eq3A_41, %broadcast_in_dim3A_82, %broadcast_in_dim3A_83 : vector<16xi1>, vector<16xi32>
      %add3A_85 = arith.addi %select_n3A_79, %select_n3A_84 : vector<16xi32>
      %jit3A_86 = arith.constant 3 : i32
      %jit3A_87 = arith.constant 0 : i32
      %broadcast_in_dim3A_88 = vector.broadcast %jit3A_86 : i32 to vector<16xi32>
      %broadcast_in_dim3A_89 = vector.broadcast %jit3A_87 : i32 to vector<16xi32>
      %select_n3A_90 = arith.select %eq3A_29, %broadcast_in_dim3A_88, %broadcast_in_dim3A_89 : vector<16xi1>, vector<16xi32>
      %jit3A_91 = arith.constant 11 : i32
      %jit3A_92 = arith.constant 0 : i32
      %broadcast_in_dim3A_93 = vector.broadcast %jit3A_91 : i32 to vector<16xi32>
      %broadcast_in_dim3A_94 = vector.broadcast %jit3A_92 : i32 to vector<16xi32>
      %select_n3A_95 = arith.select %eq3A_41, %broadcast_in_dim3A_93, %broadcast_in_dim3A_94 : vector<16xi1>, vector<16xi32>
      %add3A_96 = arith.addi %select_n3A_90, %select_n3A_95 : vector<16xi32>
      %jit3A_97 = arith.constant 4 : i32
      %jit3A_98 = arith.constant 0 : i32
      %broadcast_in_dim3A_99 = vector.broadcast %jit3A_97 : i32 to vector<16xi32>
      %broadcast_in_dim3A_100 = vector.broadcast %jit3A_98 : i32 to vector<16xi32>
      %select_n3A_101 = arith.select %eq3A_29, %broadcast_in_dim3A_99, %broadcast_in_dim3A_100 : vector<16xi1>, vector<16xi32>
      %jit3A_102 = arith.constant 12 : i32
      %jit3A_103 = arith.constant 0 : i32
      %broadcast_in_dim3A_104 = vector.broadcast %jit3A_102 : i32 to vector<16xi32>
      %broadcast_in_dim3A_105 = vector.broadcast %jit3A_103 : i32 to vector<16xi32>
      %select_n3A_106 = arith.select %eq3A_41, %broadcast_in_dim3A_104, %broadcast_in_dim3A_105 : vector<16xi1>, vector<16xi32>
      %add3A_107 = arith.addi %select_n3A_101, %select_n3A_106 : vector<16xi32>
      %jit3A_108 = arith.constant 5 : i32
      %jit3A_109 = arith.constant 0 : i32
      %broadcast_in_dim3A_110 = vector.broadcast %jit3A_108 : i32 to vector<16xi32>
      %broadcast_in_dim3A_111 = vector.broadcast %jit3A_109 : i32 to vector<16xi32>
      %select_n3A_112 = arith.select %eq3A_29, %broadcast_in_dim3A_110, %broadcast_in_dim3A_111 : vector<16xi1>, vector<16xi32>
      %jit3A_113 = arith.constant 13 : i32
      %jit3A_114 = arith.constant 0 : i32
      %broadcast_in_dim3A_115 = vector.broadcast %jit3A_113 : i32 to vector<16xi32>
      %broadcast_in_dim3A_116 = vector.broadcast %jit3A_114 : i32 to vector<16xi32>
      %select_n3A_117 = arith.select %eq3A_41, %broadcast_in_dim3A_115, %broadcast_in_dim3A_116 : vector<16xi1>, vector<16xi32>
      %add3A_118 = arith.addi %select_n3A_112, %select_n3A_117 : vector<16xi32>
      %jit3A_119 = arith.constant 6 : i32
      %jit3A_120 = arith.constant 0 : i32
      %broadcast_in_dim3A_121 = vector.broadcast %jit3A_119 : i32 to vector<16xi32>
      %broadcast_in_dim3A_122 = vector.broadcast %jit3A_120 : i32 to vector<16xi32>
      %select_n3A_123 = arith.select %eq3A_29, %broadcast_in_dim3A_121, %broadcast_in_dim3A_122 : vector<16xi1>, vector<16xi32>
      %jit3A_124 = arith.constant 14 : i32
      %jit3A_125 = arith.constant 0 : i32
      %broadcast_in_dim3A_126 = vector.broadcast %jit3A_124 : i32 to vector<16xi32>
      %broadcast_in_dim3A_127 = vector.broadcast %jit3A_125 : i32 to vector<16xi32>
      %select_n3A_128 = arith.select %eq3A_41, %broadcast_in_dim3A_126, %broadcast_in_dim3A_127 : vector<16xi1>, vector<16xi32>
      %add3A_129 = arith.addi %select_n3A_123, %select_n3A_128 : vector<16xi32>
      %jit3A_130 = arith.constant 7 : i32
      %jit3A_131 = arith.constant 0 : i32
      %broadcast_in_dim3A_132 = vector.broadcast %jit3A_130 : i32 to vector<16xi32>
      %broadcast_in_dim3A_133 = vector.broadcast %jit3A_131 : i32 to vector<16xi32>
      %select_n3A_134 = arith.select %eq3A_29, %broadcast_in_dim3A_132, %broadcast_in_dim3A_133 : vector<16xi1>, vector<16xi32>
      %jit3A_135 = arith.constant 15 : i32
      %jit3A_136 = arith.constant 0 : i32
      %broadcast_in_dim3A_137 = vector.broadcast %jit3A_135 : i32 to vector<16xi32>
      %broadcast_in_dim3A_138 = vector.broadcast %jit3A_136 : i32 to vector<16xi32>
      %select_n3A_139 = arith.select %eq3A_41, %broadcast_in_dim3A_137, %broadcast_in_dim3A_138 : vector<16xi1>, vector<16xi32>
      %add3A_140 = arith.addi %select_n3A_134, %select_n3A_139 : vector<16xi32>
      %jit3A_141 = arith.constant 0 : i32
      %jit3A_142 = arith.constant 0 : i32
      %broadcast_in_dim3A_143 = vector.broadcast %jit3A_141 : i32 to vector<16xi32>
      %broadcast_in_dim3A_144 = vector.broadcast %jit3A_142 : i32 to vector<16xi32>
      %select_n3A_145 = arith.select %eq3A_32, %broadcast_in_dim3A_143, %broadcast_in_dim3A_144 : vector<16xi1>, vector<16xi32>
      %jit3A_146 = arith.constant 8 : i32
      %jit3A_147 = arith.constant 0 : i32
      %broadcast_in_dim3A_148 = vector.broadcast %jit3A_146 : i32 to vector<16xi32>
      %broadcast_in_dim3A_149 = vector.broadcast %jit3A_147 : i32 to vector<16xi32>
      %select_n3A_150 = arith.select %eq3A_44, %broadcast_in_dim3A_148, %broadcast_in_dim3A_149 : vector<16xi1>, vector<16xi32>
      %add3A_151 = arith.addi %select_n3A_145, %select_n3A_150 : vector<16xi32>
      %jit3A_152 = arith.constant 1 : i32
      %jit3A_153 = arith.constant 0 : i32
      %broadcast_in_dim3A_154 = vector.broadcast %jit3A_152 : i32 to vector<16xi32>
      %broadcast_in_dim3A_155 = vector.broadcast %jit3A_153 : i32 to vector<16xi32>
      %select_n3A_156 = arith.select %eq3A_32, %broadcast_in_dim3A_154, %broadcast_in_dim3A_155 : vector<16xi1>, vector<16xi32>
      %jit3A_157 = arith.constant 9 : i32
      %jit3A_158 = arith.constant 0 : i32
      %broadcast_in_dim3A_159 = vector.broadcast %jit3A_157 : i32 to vector<16xi32>
      %broadcast_in_dim3A_160 = vector.broadcast %jit3A_158 : i32 to vector<16xi32>
      %select_n3A_161 = arith.select %eq3A_44, %broadcast_in_dim3A_159, %broadcast_in_dim3A_160 : vector<16xi1>, vector<16xi32>
      %add3A_162 = arith.addi %select_n3A_156, %select_n3A_161 : vector<16xi32>
      %jit3A_163 = arith.constant 2 : i32
      %jit3A_164 = arith.constant 0 : i32
      %broadcast_in_dim3A_165 = vector.broadcast %jit3A_163 : i32 to vector<16xi32>
      %broadcast_in_dim3A_166 = vector.broadcast %jit3A_164 : i32 to vector<16xi32>
      %select_n3A_167 = arith.select %eq3A_32, %broadcast_in_dim3A_165, %broadcast_in_dim3A_166 : vector<16xi1>, vector<16xi32>
      %jit3A_168 = arith.constant 10 : i32
      %jit3A_169 = arith.constant 0 : i32
      %broadcast_in_dim3A_170 = vector.broadcast %jit3A_168 : i32 to vector<16xi32>
      %broadcast_in_dim3A_171 = vector.broadcast %jit3A_169 : i32 to vector<16xi32>
      %select_n3A_172 = arith.select %eq3A_44, %broadcast_in_dim3A_170, %broadcast_in_dim3A_171 : vector<16xi1>, vector<16xi32>
      %add3A_173 = arith.addi %select_n3A_167, %select_n3A_172 : vector<16xi32>
      %jit3A_174 = arith.constant 3 : i32
      %jit3A_175 = arith.constant 0 : i32
      %broadcast_in_dim3A_176 = vector.broadcast %jit3A_174 : i32 to vector<16xi32>
      %broadcast_in_dim3A_177 = vector.broadcast %jit3A_175 : i32 to vector<16xi32>
      %select_n3A_178 = arith.select %eq3A_32, %broadcast_in_dim3A_176, %broadcast_in_dim3A_177 : vector<16xi1>, vector<16xi32>
      %jit3A_179 = arith.constant 11 : i32
      %jit3A_180 = arith.constant 0 : i32
      %broadcast_in_dim3A_181 = vector.broadcast %jit3A_179 : i32 to vector<16xi32>
      %broadcast_in_dim3A_182 = vector.broadcast %jit3A_180 : i32 to vector<16xi32>
      %select_n3A_183 = arith.select %eq3A_44, %broadcast_in_dim3A_181, %broadcast_in_dim3A_182 : vector<16xi1>, vector<16xi32>
      %add3A_184 = arith.addi %select_n3A_178, %select_n3A_183 : vector<16xi32>
      %jit3A_185 = arith.constant 4 : i32
      %jit3A_186 = arith.constant 0 : i32
      %broadcast_in_dim3A_187 = vector.broadcast %jit3A_185 : i32 to vector<16xi32>
      %broadcast_in_dim3A_188 = vector.broadcast %jit3A_186 : i32 to vector<16xi32>
      %select_n3A_189 = arith.select %eq3A_32, %broadcast_in_dim3A_187, %broadcast_in_dim3A_188 : vector<16xi1>, vector<16xi32>
      %jit3A_190 = arith.constant 12 : i32
      %jit3A_191 = arith.constant 0 : i32
      %broadcast_in_dim3A_192 = vector.broadcast %jit3A_190 : i32 to vector<16xi32>
      %broadcast_in_dim3A_193 = vector.broadcast %jit3A_191 : i32 to vector<16xi32>
      %select_n3A_194 = arith.select %eq3A_44, %broadcast_in_dim3A_192, %broadcast_in_dim3A_193 : vector<16xi1>, vector<16xi32>
      %add3A_195 = arith.addi %select_n3A_189, %select_n3A_194 : vector<16xi32>
      %jit3A_196 = arith.constant 5 : i32
      %jit3A_197 = arith.constant 0 : i32
      %broadcast_in_dim3A_198 = vector.broadcast %jit3A_196 : i32 to vector<16xi32>
      %broadcast_in_dim3A_199 = vector.broadcast %jit3A_197 : i32 to vector<16xi32>
      %select_n3A_200 = arith.select %eq3A_32, %broadcast_in_dim3A_198, %broadcast_in_dim3A_199 : vector<16xi1>, vector<16xi32>
      %jit3A_201 = arith.constant 13 : i32
      %jit3A_202 = arith.constant 0 : i32
      %broadcast_in_dim3A_203 = vector.broadcast %jit3A_201 : i32 to vector<16xi32>
      %broadcast_in_dim3A_204 = vector.broadcast %jit3A_202 : i32 to vector<16xi32>
      %select_n3A_205 = arith.select %eq3A_44, %broadcast_in_dim3A_203, %broadcast_in_dim3A_204 : vector<16xi1>, vector<16xi32>
      %add3A_206 = arith.addi %select_n3A_200, %select_n3A_205 : vector<16xi32>
      %jit3A_207 = arith.constant 6 : i32
      %jit3A_208 = arith.constant 0 : i32
      %broadcast_in_dim3A_209 = vector.broadcast %jit3A_207 : i32 to vector<16xi32>
      %broadcast_in_dim3A_210 = vector.broadcast %jit3A_208 : i32 to vector<16xi32>
      %select_n3A_211 = arith.select %eq3A_32, %broadcast_in_dim3A_209, %broadcast_in_dim3A_210 : vector<16xi1>, vector<16xi32>
      %jit3A_212 = arith.constant 14 : i32
      %jit3A_213 = arith.constant 0 : i32
      %broadcast_in_dim3A_214 = vector.broadcast %jit3A_212 : i32 to vector<16xi32>
      %broadcast_in_dim3A_215 = vector.broadcast %jit3A_213 : i32 to vector<16xi32>
      %select_n3A_216 = arith.select %eq3A_44, %broadcast_in_dim3A_214, %broadcast_in_dim3A_215 : vector<16xi1>, vector<16xi32>
      %add3A_217 = arith.addi %select_n3A_211, %select_n3A_216 : vector<16xi32>
      %jit3A_218 = arith.constant 7 : i32
      %jit3A_219 = arith.constant 0 : i32
      %broadcast_in_dim3A_220 = vector.broadcast %jit3A_218 : i32 to vector<16xi32>
      %broadcast_in_dim3A_221 = vector.broadcast %jit3A_219 : i32 to vector<16xi32>
      %select_n3A_222 = arith.select %eq3A_32, %broadcast_in_dim3A_220, %broadcast_in_dim3A_221 : vector<16xi1>, vector<16xi32>
      %jit3A_223 = arith.constant 15 : i32
      %jit3A_224 = arith.constant 0 : i32
      %broadcast_in_dim3A_225 = vector.broadcast %jit3A_223 : i32 to vector<16xi32>
      %broadcast_in_dim3A_226 = vector.broadcast %jit3A_224 : i32 to vector<16xi32>
      %select_n3A_227 = arith.select %eq3A_44, %broadcast_in_dim3A_225, %broadcast_in_dim3A_226 : vector<16xi1>, vector<16xi32>
      %add3A_228 = arith.addi %select_n3A_222, %select_n3A_227 : vector<16xi32>
      %jit3A_229 = arith.constant 0 : i32
      %jit3A_230 = arith.constant 0 : i32
      %broadcast_in_dim3A_231 = vector.broadcast %jit3A_229 : i32 to vector<16xi32>
      %broadcast_in_dim3A_232 = vector.broadcast %jit3A_230 : i32 to vector<16xi32>
      %select_n3A_233 = arith.select %eq3A_35, %broadcast_in_dim3A_231, %broadcast_in_dim3A_232 : vector<16xi1>, vector<16xi32>
      %jit3A_234 = arith.constant 8 : i32
      %jit3A_235 = arith.constant 0 : i32
      %broadcast_in_dim3A_236 = vector.broadcast %jit3A_234 : i32 to vector<16xi32>
      %broadcast_in_dim3A_237 = vector.broadcast %jit3A_235 : i32 to vector<16xi32>
      %select_n3A_238 = arith.select %eq3A_47, %broadcast_in_dim3A_236, %broadcast_in_dim3A_237 : vector<16xi1>, vector<16xi32>
      %add3A_239 = arith.addi %select_n3A_233, %select_n3A_238 : vector<16xi32>
      %jit3A_240 = arith.constant 1 : i32
      %jit3A_241 = arith.constant 0 : i32
      %broadcast_in_dim3A_242 = vector.broadcast %jit3A_240 : i32 to vector<16xi32>
      %broadcast_in_dim3A_243 = vector.broadcast %jit3A_241 : i32 to vector<16xi32>
      %select_n3A_244 = arith.select %eq3A_35, %broadcast_in_dim3A_242, %broadcast_in_dim3A_243 : vector<16xi1>, vector<16xi32>
      %jit3A_245 = arith.constant 9 : i32
      %jit3A_246 = arith.constant 0 : i32
      %broadcast_in_dim3A_247 = vector.broadcast %jit3A_245 : i32 to vector<16xi32>
      %broadcast_in_dim3A_248 = vector.broadcast %jit3A_246 : i32 to vector<16xi32>
      %select_n3A_249 = arith.select %eq3A_47, %broadcast_in_dim3A_247, %broadcast_in_dim3A_248 : vector<16xi1>, vector<16xi32>
      %add3A_250 = arith.addi %select_n3A_244, %select_n3A_249 : vector<16xi32>
      %jit3A_251 = arith.constant 2 : i32
      %jit3A_252 = arith.constant 0 : i32
      %broadcast_in_dim3A_253 = vector.broadcast %jit3A_251 : i32 to vector<16xi32>
      %broadcast_in_dim3A_254 = vector.broadcast %jit3A_252 : i32 to vector<16xi32>
      %select_n3A_255 = arith.select %eq3A_35, %broadcast_in_dim3A_253, %broadcast_in_dim3A_254 : vector<16xi1>, vector<16xi32>
      %jit3A_256 = arith.constant 10 : i32
      %jit3A_257 = arith.constant 0 : i32
      %broadcast_in_dim3A_258 = vector.broadcast %jit3A_256 : i32 to vector<16xi32>
      %broadcast_in_dim3A_259 = vector.broadcast %jit3A_257 : i32 to vector<16xi32>
      %select_n3A_260 = arith.select %eq3A_47, %broadcast_in_dim3A_258, %broadcast_in_dim3A_259 : vector<16xi1>, vector<16xi32>
      %add3A_261 = arith.addi %select_n3A_255, %select_n3A_260 : vector<16xi32>
      %jit3A_262 = arith.constant 3 : i32
      %jit3A_263 = arith.constant 0 : i32
      %broadcast_in_dim3A_264 = vector.broadcast %jit3A_262 : i32 to vector<16xi32>
      %broadcast_in_dim3A_265 = vector.broadcast %jit3A_263 : i32 to vector<16xi32>
      %select_n3A_266 = arith.select %eq3A_35, %broadcast_in_dim3A_264, %broadcast_in_dim3A_265 : vector<16xi1>, vector<16xi32>
      %jit3A_267 = arith.constant 11 : i32
      %jit3A_268 = arith.constant 0 : i32
      %broadcast_in_dim3A_269 = vector.broadcast %jit3A_267 : i32 to vector<16xi32>
      %broadcast_in_dim3A_270 = vector.broadcast %jit3A_268 : i32 to vector<16xi32>
      %select_n3A_271 = arith.select %eq3A_47, %broadcast_in_dim3A_269, %broadcast_in_dim3A_270 : vector<16xi1>, vector<16xi32>
      %add3A_272 = arith.addi %select_n3A_266, %select_n3A_271 : vector<16xi32>
      %jit3A_273 = arith.constant 4 : i32
      %jit3A_274 = arith.constant 0 : i32
      %broadcast_in_dim3A_275 = vector.broadcast %jit3A_273 : i32 to vector<16xi32>
      %broadcast_in_dim3A_276 = vector.broadcast %jit3A_274 : i32 to vector<16xi32>
      %select_n3A_277 = arith.select %eq3A_35, %broadcast_in_dim3A_275, %broadcast_in_dim3A_276 : vector<16xi1>, vector<16xi32>
      %jit3A_278 = arith.constant 12 : i32
      %jit3A_279 = arith.constant 0 : i32
      %broadcast_in_dim3A_280 = vector.broadcast %jit3A_278 : i32 to vector<16xi32>
      %broadcast_in_dim3A_281 = vector.broadcast %jit3A_279 : i32 to vector<16xi32>
      %select_n3A_282 = arith.select %eq3A_47, %broadcast_in_dim3A_280, %broadcast_in_dim3A_281 : vector<16xi1>, vector<16xi32>
      %add3A_283 = arith.addi %select_n3A_277, %select_n3A_282 : vector<16xi32>
      %jit3A_284 = arith.constant 5 : i32
      %jit3A_285 = arith.constant 0 : i32
      %broadcast_in_dim3A_286 = vector.broadcast %jit3A_284 : i32 to vector<16xi32>
      %broadcast_in_dim3A_287 = vector.broadcast %jit3A_285 : i32 to vector<16xi32>
      %select_n3A_288 = arith.select %eq3A_35, %broadcast_in_dim3A_286, %broadcast_in_dim3A_287 : vector<16xi1>, vector<16xi32>
      %jit3A_289 = arith.constant 13 : i32
      %jit3A_290 = arith.constant 0 : i32
      %broadcast_in_dim3A_291 = vector.broadcast %jit3A_289 : i32 to vector<16xi32>
      %broadcast_in_dim3A_292 = vector.broadcast %jit3A_290 : i32 to vector<16xi32>
      %select_n3A_293 = arith.select %eq3A_47, %broadcast_in_dim3A_291, %broadcast_in_dim3A_292 : vector<16xi1>, vector<16xi32>
      %add3A_294 = arith.addi %select_n3A_288, %select_n3A_293 : vector<16xi32>
      %jit3A_295 = arith.constant 6 : i32
      %jit3A_296 = arith.constant 0 : i32
      %broadcast_in_dim3A_297 = vector.broadcast %jit3A_295 : i32 to vector<16xi32>
      %broadcast_in_dim3A_298 = vector.broadcast %jit3A_296 : i32 to vector<16xi32>
      %select_n3A_299 = arith.select %eq3A_35, %broadcast_in_dim3A_297, %broadcast_in_dim3A_298 : vector<16xi1>, vector<16xi32>
      %jit3A_300 = arith.constant 14 : i32
      %jit3A_301 = arith.constant 0 : i32
      %broadcast_in_dim3A_302 = vector.broadcast %jit3A_300 : i32 to vector<16xi32>
      %broadcast_in_dim3A_303 = vector.broadcast %jit3A_301 : i32 to vector<16xi32>
      %select_n3A_304 = arith.select %eq3A_47, %broadcast_in_dim3A_302, %broadcast_in_dim3A_303 : vector<16xi1>, vector<16xi32>
      %add3A_305 = arith.addi %select_n3A_299, %select_n3A_304 : vector<16xi32>
      %jit3A_306 = arith.constant 7 : i32
      %jit3A_307 = arith.constant 0 : i32
      %broadcast_in_dim3A_308 = vector.broadcast %jit3A_306 : i32 to vector<16xi32>
      %broadcast_in_dim3A_309 = vector.broadcast %jit3A_307 : i32 to vector<16xi32>
      %select_n3A_310 = arith.select %eq3A_35, %broadcast_in_dim3A_308, %broadcast_in_dim3A_309 : vector<16xi1>, vector<16xi32>
      %jit3A_311 = arith.constant 15 : i32
      %jit3A_312 = arith.constant 0 : i32
      %broadcast_in_dim3A_313 = vector.broadcast %jit3A_311 : i32 to vector<16xi32>
      %broadcast_in_dim3A_314 = vector.broadcast %jit3A_312 : i32 to vector<16xi32>
      %select_n3A_315 = arith.select %eq3A_47, %broadcast_in_dim3A_313, %broadcast_in_dim3A_314 : vector<16xi1>, vector<16xi32>
      %add3A_316 = arith.addi %select_n3A_310, %select_n3A_315 : vector<16xi32>
      %jit3A_317 = arith.constant 0 : i32
      %jit3A_318 = arith.constant 0 : i32
      %broadcast_in_dim3A_319 = vector.broadcast %jit3A_317 : i32 to vector<16xi32>
      %broadcast_in_dim3A_320 = vector.broadcast %jit3A_318 : i32 to vector<16xi32>
      %select_n3A_321 = arith.select %eq3A_38, %broadcast_in_dim3A_319, %broadcast_in_dim3A_320 : vector<16xi1>, vector<16xi32>
      %jit3A_322 = arith.constant 8 : i32
      %jit3A_323 = arith.constant 0 : i32
      %broadcast_in_dim3A_324 = vector.broadcast %jit3A_322 : i32 to vector<16xi32>
      %broadcast_in_dim3A_325 = vector.broadcast %jit3A_323 : i32 to vector<16xi32>
      %select_n3A_326 = arith.select %eq3A_50, %broadcast_in_dim3A_324, %broadcast_in_dim3A_325 : vector<16xi1>, vector<16xi32>
      %add3A_327 = arith.addi %select_n3A_321, %select_n3A_326 : vector<16xi32>
      %jit3A_328 = arith.constant 1 : i32
      %jit3A_329 = arith.constant 0 : i32
      %broadcast_in_dim3A_330 = vector.broadcast %jit3A_328 : i32 to vector<16xi32>
      %broadcast_in_dim3A_331 = vector.broadcast %jit3A_329 : i32 to vector<16xi32>
      %select_n3A_332 = arith.select %eq3A_38, %broadcast_in_dim3A_330, %broadcast_in_dim3A_331 : vector<16xi1>, vector<16xi32>
      %jit3A_333 = arith.constant 9 : i32
      %jit3A_334 = arith.constant 0 : i32
      %broadcast_in_dim3A_335 = vector.broadcast %jit3A_333 : i32 to vector<16xi32>
      %broadcast_in_dim3A_336 = vector.broadcast %jit3A_334 : i32 to vector<16xi32>
      %select_n3A_337 = arith.select %eq3A_50, %broadcast_in_dim3A_335, %broadcast_in_dim3A_336 : vector<16xi1>, vector<16xi32>
      %add3A_338 = arith.addi %select_n3A_332, %select_n3A_337 : vector<16xi32>
      %jit3A_339 = arith.constant 2 : i32
      %jit3A_340 = arith.constant 0 : i32
      %broadcast_in_dim3A_341 = vector.broadcast %jit3A_339 : i32 to vector<16xi32>
      %broadcast_in_dim3A_342 = vector.broadcast %jit3A_340 : i32 to vector<16xi32>
      %select_n3A_343 = arith.select %eq3A_38, %broadcast_in_dim3A_341, %broadcast_in_dim3A_342 : vector<16xi1>, vector<16xi32>
      %jit3A_344 = arith.constant 10 : i32
      %jit3A_345 = arith.constant 0 : i32
      %broadcast_in_dim3A_346 = vector.broadcast %jit3A_344 : i32 to vector<16xi32>
      %broadcast_in_dim3A_347 = vector.broadcast %jit3A_345 : i32 to vector<16xi32>
      %select_n3A_348 = arith.select %eq3A_50, %broadcast_in_dim3A_346, %broadcast_in_dim3A_347 : vector<16xi1>, vector<16xi32>
      %add3A_349 = arith.addi %select_n3A_343, %select_n3A_348 : vector<16xi32>
      %jit3A_350 = arith.constant 3 : i32
      %jit3A_351 = arith.constant 0 : i32
      %broadcast_in_dim3A_352 = vector.broadcast %jit3A_350 : i32 to vector<16xi32>
      %broadcast_in_dim3A_353 = vector.broadcast %jit3A_351 : i32 to vector<16xi32>
      %select_n3A_354 = arith.select %eq3A_38, %broadcast_in_dim3A_352, %broadcast_in_dim3A_353 : vector<16xi1>, vector<16xi32>
      %jit3A_355 = arith.constant 11 : i32
      %jit3A_356 = arith.constant 0 : i32
      %broadcast_in_dim3A_357 = vector.broadcast %jit3A_355 : i32 to vector<16xi32>
      %broadcast_in_dim3A_358 = vector.broadcast %jit3A_356 : i32 to vector<16xi32>
      %select_n3A_359 = arith.select %eq3A_50, %broadcast_in_dim3A_357, %broadcast_in_dim3A_358 : vector<16xi1>, vector<16xi32>
      %add3A_360 = arith.addi %select_n3A_354, %select_n3A_359 : vector<16xi32>
      %jit3A_361 = arith.constant 4 : i32
      %jit3A_362 = arith.constant 0 : i32
      %broadcast_in_dim3A_363 = vector.broadcast %jit3A_361 : i32 to vector<16xi32>
      %broadcast_in_dim3A_364 = vector.broadcast %jit3A_362 : i32 to vector<16xi32>
      %select_n3A_365 = arith.select %eq3A_38, %broadcast_in_dim3A_363, %broadcast_in_dim3A_364 : vector<16xi1>, vector<16xi32>
      %jit3A_366 = arith.constant 12 : i32
      %jit3A_367 = arith.constant 0 : i32
      %broadcast_in_dim3A_368 = vector.broadcast %jit3A_366 : i32 to vector<16xi32>
      %broadcast_in_dim3A_369 = vector.broadcast %jit3A_367 : i32 to vector<16xi32>
      %select_n3A_370 = arith.select %eq3A_50, %broadcast_in_dim3A_368, %broadcast_in_dim3A_369 : vector<16xi1>, vector<16xi32>
      %add3A_371 = arith.addi %select_n3A_365, %select_n3A_370 : vector<16xi32>
      %jit3A_372 = arith.constant 5 : i32
      %jit3A_373 = arith.constant 0 : i32
      %broadcast_in_dim3A_374 = vector.broadcast %jit3A_372 : i32 to vector<16xi32>
      %broadcast_in_dim3A_375 = vector.broadcast %jit3A_373 : i32 to vector<16xi32>
      %select_n3A_376 = arith.select %eq3A_38, %broadcast_in_dim3A_374, %broadcast_in_dim3A_375 : vector<16xi1>, vector<16xi32>
      %jit3A_377 = arith.constant 13 : i32
      %jit3A_378 = arith.constant 0 : i32
      %broadcast_in_dim3A_379 = vector.broadcast %jit3A_377 : i32 to vector<16xi32>
      %broadcast_in_dim3A_380 = vector.broadcast %jit3A_378 : i32 to vector<16xi32>
      %select_n3A_381 = arith.select %eq3A_50, %broadcast_in_dim3A_379, %broadcast_in_dim3A_380 : vector<16xi1>, vector<16xi32>
      %add3A_382 = arith.addi %select_n3A_376, %select_n3A_381 : vector<16xi32>
      %jit3A_383 = arith.constant 6 : i32
      %jit3A_384 = arith.constant 0 : i32
      %broadcast_in_dim3A_385 = vector.broadcast %jit3A_383 : i32 to vector<16xi32>
      %broadcast_in_dim3A_386 = vector.broadcast %jit3A_384 : i32 to vector<16xi32>
      %select_n3A_387 = arith.select %eq3A_38, %broadcast_in_dim3A_385, %broadcast_in_dim3A_386 : vector<16xi1>, vector<16xi32>
      %jit3A_388 = arith.constant 14 : i32
      %jit3A_389 = arith.constant 0 : i32
      %broadcast_in_dim3A_390 = vector.broadcast %jit3A_388 : i32 to vector<16xi32>
      %broadcast_in_dim3A_391 = vector.broadcast %jit3A_389 : i32 to vector<16xi32>
      %select_n3A_392 = arith.select %eq3A_50, %broadcast_in_dim3A_390, %broadcast_in_dim3A_391 : vector<16xi1>, vector<16xi32>
      %add3A_393 = arith.addi %select_n3A_387, %select_n3A_392 : vector<16xi32>
      %jit3A_394 = arith.constant 7 : i32
      %jit3A_395 = arith.constant 0 : i32
      %broadcast_in_dim3A_396 = vector.broadcast %jit3A_394 : i32 to vector<16xi32>
      %broadcast_in_dim3A_397 = vector.broadcast %jit3A_395 : i32 to vector<16xi32>
      %select_n3A_398 = arith.select %eq3A_38, %broadcast_in_dim3A_396, %broadcast_in_dim3A_397 : vector<16xi1>, vector<16xi32>
      %jit3A_399 = arith.constant 15 : i32
      %jit3A_400 = arith.constant 0 : i32
      %broadcast_in_dim3A_401 = vector.broadcast %jit3A_399 : i32 to vector<16xi32>
      %broadcast_in_dim3A_402 = vector.broadcast %jit3A_400 : i32 to vector<16xi32>
      %select_n3A_403 = arith.select %eq3A_50, %broadcast_in_dim3A_401, %broadcast_in_dim3A_402 : vector<16xi1>, vector<16xi32>
      %add3A_404 = arith.addi %select_n3A_398, %select_n3A_403 : vector<16xi32>
      %get3A = arith.constant 0 : index
      %get3A_405 = tpu.vector_load %arg8[%get3A] {strides = array<i32>} : memref<64xf32, #tpu.memory_space<vmem>>, vector<16xf32>,
      %get3A_406 = vector.shape_cast %get3A_405 : vector<16xf32> to vector<16xf32>
      %get3A_407 = arith.constant 16 : index
      %get3A_408 = tpu.vector_load %arg8[%get3A_407] {strides = array<i32>} : memref<64xf32, #tpu.memory_space<vmem>>, vector<16xf32>,
      %get3A_409 = vector.shape_cast %get3A_408 : vector<16xf32> to vector<16xf32>
      %get3A_410 = arith.constant 32 : index
      %get3A_411 = tpu.vector_load %arg8[%get3A_410] {strides = array<i32>} : memref<64xf32, #tpu.memory_space<vmem>>, vector<16xf32>,
      %get3A_412 = vector.shape_cast %get3A_411 : vector<16xf32> to vector<16xf32>
      %get3A_413 = arith.constant 48 : index
      %get3A_414 = tpu.vector_load %arg8[%get3A_413] {strides = array<i32>} : memref<64xf32, #tpu.memory_space<vmem>>, vector<16xf32>,
      %get3A_415 = vector.shape_cast %get3A_414 : vector<16xf32> to vector<16xf32>
      %get3A_416 = arith.constant 0 : index
      %get3A_417 = tpu.vector_load %arg9[%get3A_416] {strides = array<i32>} : memref<64xf32, #tpu.memory_space<vmem>>, vector<16xf32>,
      %get3A_418 = vector.shape_cast %get3A_417 : vector<16xf32> to vector<16xf32>
      %get3A_419 = arith.constant 16 : index
      %get3A_420 = tpu.vector_load %arg9[%get3A_419] {strides = array<i32>} : memref<64xf32, #tpu.memory_space<vmem>>, vector<16xf32>,
      %get3A_421 = vector.shape_cast %get3A_420 : vector<16xf32> to vector<16xf32>
      %get3A_422 = arith.constant 32 : index
      %get3A_423 = tpu.vector_load %arg9[%get3A_422] {strides = array<i32>} : memref<64xf32, #tpu.memory_space<vmem>>, vector<16xf32>,
      %get3A_424 = vector.shape_cast %get3A_423 : vector<16xf32> to vector<16xf32>
      %get3A_425 = arith.constant 48 : index
      %get3A_426 = tpu.vector_load %arg9[%get3A_425] {strides = array<i32>} : memref<64xf32, #tpu.memory_space<vmem>>, vector<16xf32>,
      %get3A_427 = vector.shape_cast %get3A_426 : vector<16xf32> to vector<16xf32>
      %get3A_428 = arith.constant 0 : index
      %get3A_429 = tpu.vector_load %arg10[%get3A_428] {strides = array<i32>} : memref<16xf32, #tpu.memory_space<vmem>>, vector<16xf32>,
      %get3A_430 = vector.shape_cast %get3A_429 : vector<16xf32> to vector<16xf32>
      %broadcast_in_dim3A_431 = vector.shape_cast %select_n3A_25 : vector<16xi32> to vector<16x1xi32>
      %gather3A = vector.shape_cast %broadcast_in_dim3A_431 : vector<16x1xi32> to vector<16xi32>
      %gather3A_432 = tpu.dynamic_gather %get3A_430[%gather3A] in [0] : vector<16xf32>, vector<16xi32> -> vector<16xf32>
      %mul3A = arith.constant 0.0285714287 : f32
      %mul3A_433 = vector.broadcast %mul3A : f32 to vector<16xf32>
      %mul3A_434 = arith.mulf %get3A_406, %mul3A_433 : vector<16xf32>
      %sub3A_435 = arith.subf %get3A_418, %mul3A_434 : vector<16xf32>
      %mul3A_436 = arith.constant 0.0285714287 : f32
      %mul3A_437 = vector.broadcast %mul3A_436 : f32 to vector<16xf32>
      %mul3A_438 = arith.mulf %get3A_409, %mul3A_437 : vector<16xf32>
      %sub3A_439 = arith.subf %get3A_421, %mul3A_438 : vector<16xf32>
      %mul3A_440 = arith.constant 0.0285714287 : f32
      %mul3A_441 = vector.broadcast %mul3A_440 : f32 to vector<16xf32>
      %mul3A_442 = arith.mulf %get3A_412, %mul3A_441 : vector<16xf32>
      %sub3A_443 = arith.subf %get3A_424, %mul3A_442 : vector<16xf32>
      %mul3A_444 = arith.constant 0.0285714287 : f32
      %mul3A_445 = vector.broadcast %mul3A_444 : f32 to vector<16xf32>
      %mul3A_446 = arith.mulf %get3A_415, %mul3A_445 : vector<16xf32>
      %sub3A_447 = arith.subf %get3A_427, %mul3A_446 : vector<16xf32>
      %broadcast_in_dim3A_448 = vector.shape_cast %add3A_327 : vector<16xi32> to vector<16x1xi32>
      %gather3A_449 = vector.shape_cast %broadcast_in_dim3A_448 : vector<16x1xi32> to vector<16xi32>
      %gather3A_450 = tpu.dynamic_gather %sub3A_447[%gather3A_449] in [0] : vector<16xf32>, vector<16xi32> -> vector<16xf32>
      %broadcast_in_dim3A_451 = vector.shape_cast %add3A_239 : vector<16xi32> to vector<16x1xi32>
      %gather3A_452 = vector.shape_cast %broadcast_in_dim3A_451 : vector<16x1xi32> to vector<16xi32>
      %gather3A_453 = tpu.dynamic_gather %sub3A_443[%gather3A_452] in [0] : vector<16xf32>, vector<16xi32> -> vector<16xf32>
      %select_n3A_454 = arith.select %or3A_52, %gather3A_453, %gather3A_450 : vector<16xi1>, vector<16xf32>
      %broadcast_in_dim3A_455 = vector.shape_cast %add3A_151 : vector<16xi32> to vector<16x1xi32>
      %gather3A_456 = vector.shape_cast %broadcast_in_dim3A_455 : vector<16x1xi32> to vector<16xi32>
      %gather3A_457 = tpu.dynamic_gather %sub3A_439[%gather3A_456] in [0] : vector<16xf32>, vector<16xi32> -> vector<16xf32>
      %select_n3A_458 = arith.select %or3A_51, %gather3A_457, %select_n3A_454 : vector<16xi1>, vector<16xf32>
      %broadcast_in_dim3A_459 = vector.shape_cast %add3A_63 : vector<16xi32> to vector<16x1xi32>
      %gather3A_460 = vector.shape_cast %broadcast_in_dim3A_459 : vector<16x1xi32> to vector<16xi32>
      %gather3A_461 = tpu.dynamic_gather %sub3A_435[%gather3A_460] in [0] : vector<16xf32>, vector<16xi32> -> vector<16xf32>
      %select_n3A_462 = arith.select %or3A, %gather3A_461, %select_n3A_458 : vector<16xi1>, vector<16xf32>
      %broadcast_in_dim3A_463 = vector.shape_cast %add3A_338 : vector<16xi32> to vector<16x1xi32>
      %gather3A_464 = vector.shape_cast %broadcast_in_dim3A_463 : vector<16x1xi32> to vector<16xi32>
      %gather3A_465 = tpu.dynamic_gather %sub3A_447[%gather3A_464] in [0] : vector<16xf32>, vector<16xi32> -> vector<16xf32>
      %broadcast_in_dim3A_466 = vector.shape_cast %add3A_250 : vector<16xi32> to vector<16x1xi32>
      %gather3A_467 = vector.shape_cast %broadcast_in_dim3A_466 : vector<16x1xi32> to vector<16xi32>
      %gather3A_468 = tpu.dynamic_gather %sub3A_443[%gather3A_467] in [0] : vector<16xf32>, vector<16xi32> -> vector<16xf32>
      %select_n3A_469 = arith.select %or3A_52, %gather3A_468, %gather3A_465 : vector<16xi1>, vector<16xf32>
      %broadcast_in_dim3A_470 = vector.shape_cast %add3A_162 : vector<16xi32> to vector<16x1xi32>
      %gather3A_471 = vector.shape_cast %broadcast_in_dim3A_470 : vector<16x1xi32> to vector<16xi32>
      %gather3A_472 = tpu.dynamic_gather %sub3A_439[%gather3A_471] in [0] : vector<16xf32>, vector<16xi32> -> vector<16xf32>
      %select_n3A_473 = arith.select %or3A_51, %gather3A_472, %select_n3A_469 : vector<16xi1>, vector<16xf32>
      %broadcast_in_dim3A_474 = vector.shape_cast %add3A_74 : vector<16xi32> to vector<16x1xi32>
      %gather3A_475 = vector.shape_cast %broadcast_in_dim3A_474 : vector<16x1xi32> to vector<16xi32>
      %gather3A_476 = tpu.dynamic_gather %sub3A_435[%gather3A_475] in [0] : vector<16xf32>, vector<16xi32> -> vector<16xf32>
      %select_n3A_477 = arith.select %or3A, %gather3A_476, %select_n3A_473 : vector<16xi1>, vector<16xf32>
      %broadcast_in_dim3A_478 = vector.shape_cast %add3A_349 : vector<16xi32> to vector<16x1xi32>
      %gather3A_479 = vector.shape_cast %broadcast_in_dim3A_478 : vector<16x1xi32> to vector<16xi32>
      %gather3A_480 = tpu.dynamic_gather %sub3A_447[%gather3A_479] in [0] : vector<16xf32>, vector<16xi32> -> vector<16xf32>
      %broadcast_in_dim3A_481 = vector.shape_cast %add3A_261 : vector<16xi32> to vector<16x1xi32>
      %gather3A_482 = vector.shape_cast %broadcast_in_dim3A_481 : vector<16x1xi32> to vector<16xi32>
      %gather3A_483 = tpu.dynamic_gather %sub3A_443[%gather3A_482] in [0] : vector<16xf32>, vector<16xi32> -> vector<16xf32>
      %select_n3A_484 = arith.select %or3A_52, %gather3A_483, %gather3A_480 : vector<16xi1>, vector<16xf32>
      %broadcast_in_dim3A_485 = vector.shape_cast %add3A_173 : vector<16xi32> to vector<16x1xi32>
      %gather3A_486 = vector.shape_cast %broadcast_in_dim3A_485 : vector<16x1xi32> to vector<16xi32>
      %gather3A_487 = tpu.dynamic_gather %sub3A_439[%gather3A_486] in [0] : vector<16xf32>, vector<16xi32> -> vector<16xf32>
      %select_n3A_488 = arith.select %or3A_51, %gather3A_487, %select_n3A_484 : vector<16xi1>, vector<16xf32>
      %broadcast_in_dim3A_489 = vector.shape_cast %add3A_85 : vector<16xi32> to vector<16x1xi32>
      %gather3A_490 = vector.shape_cast %broadcast_in_dim3A_489 : vector<16x1xi32> to vector<16xi32>
      %gather3A_491 = tpu.dynamic_gather %sub3A_435[%gather3A_490] in [0] : vector<16xf32>, vector<16xi32> -> vector<16xf32>
      %select_n3A_492 = arith.select %or3A, %gather3A_491, %select_n3A_488 : vector<16xi1>, vector<16xf32>
      %broadcast_in_dim3A_493 = vector.shape_cast %add3A_360 : vector<16xi32> to vector<16x1xi32>
      %gather3A_494 = vector.shape_cast %broadcast_in_dim3A_493 : vector<16x1xi32> to vector<16xi32>
      %gather3A_495 = tpu.dynamic_gather %sub3A_447[%gather3A_494] in [0] : vector<16xf32>, vector<16xi32> -> vector<16xf32>
      %broadcast_in_dim3A_496 = vector.shape_cast %add3A_272 : vector<16xi32> to vector<16x1xi32>
      %gather3A_497 = vector.shape_cast %broadcast_in_dim3A_496 : vector<16x1xi32> to vector<16xi32>
      %gather3A_498 = tpu.dynamic_gather %sub3A_443[%gather3A_497] in [0] : vector<16xf32>, vector<16xi32> -> vector<16xf32>
      %select_n3A_499 = arith.select %or3A_52, %gather3A_498, %gather3A_495 : vector<16xi1>, vector<16xf32>
      %broadcast_in_dim3A_500 = vector.shape_cast %add3A_184 : vector<16xi32> to vector<16x1xi32>
      %gather3A_501 = vector.shape_cast %broadcast_in_dim3A_500 : vector<16x1xi32> to vector<16xi32>
      %gather3A_502 = tpu.dynamic_gather %sub3A_439[%gather3A_501] in [0] : vector<16xf32>, vector<16xi32> -> vector<16xf32>
      %select_n3A_503 = arith.select %or3A_51, %gather3A_502, %select_n3A_499 : vector<16xi1>, vector<16xf32>
      %broadcast_in_dim3A_504 = vector.shape_cast %add3A_96 : vector<16xi32> to vector<16x1xi32>
      %gather3A_505 = vector.shape_cast %broadcast_in_dim3A_504 : vector<16x1xi32> to vector<16xi32>
      %gather3A_506 = tpu.dynamic_gather %sub3A_435[%gather3A_505] in [0] : vector<16xf32>, vector<16xi32> -> vector<16xf32>
      %select_n3A_507 = arith.select %or3A, %gather3A_506, %select_n3A_503 : vector<16xi1>, vector<16xf32>
      %broadcast_in_dim3A_508 = vector.shape_cast %add3A_371 : vector<16xi32> to vector<16x1xi32>
      %gather3A_509 = vector.shape_cast %broadcast_in_dim3A_508 : vector<16x1xi32> to vector<16xi32>
      %gather3A_510 = tpu.dynamic_gather %sub3A_447[%gather3A_509] in [0] : vector<16xf32>, vector<16xi32> -> vector<16xf32>
      %broadcast_in_dim3A_511 = vector.shape_cast %add3A_283 : vector<16xi32> to vector<16x1xi32>
      %gather3A_512 = vector.shape_cast %broadcast_in_dim3A_511 : vector<16x1xi32> to vector<16xi32>
      %gather3A_513 = tpu.dynamic_gather %sub3A_443[%gather3A_512] in [0] : vector<16xf32>, vector<16xi32> -> vector<16xf32>
      %select_n3A_514 = arith.select %or3A_52, %gather3A_513, %gather3A_510 : vector<16xi1>, vector<16xf32>
      %broadcast_in_dim3A_515 = vector.shape_cast %add3A_195 : vector<16xi32> to vector<16x1xi32>
      %gather3A_516 = vector.shape_cast %broadcast_in_dim3A_515 : vector<16x1xi32> to vector<16xi32>
      %gather3A_517 = tpu.dynamic_gather %sub3A_439[%gather3A_516] in [0] : vector<16xf32>, vector<16xi32> -> vector<16xf32>
      %select_n3A_518 = arith.select %or3A_51, %gather3A_517, %select_n3A_514 : vector<16xi1>, vector<16xf32>
      %broadcast_in_dim3A_519 = vector.shape_cast %add3A_107 : vector<16xi32> to vector<16x1xi32>
      %gather3A_520 = vector.shape_cast %broadcast_in_dim3A_519 : vector<16x1xi32> to vector<16xi32>
      %gather3A_521 = tpu.dynamic_gather %sub3A_435[%gather3A_520] in [0] : vector<16xf32>, vector<16xi32> -> vector<16xf32>
      %select_n3A_522 = arith.select %or3A, %gather3A_521, %select_n3A_518 : vector<16xi1>, vector<16xf32>
      %broadcast_in_dim3A_523 = vector.shape_cast %add3A_382 : vector<16xi32> to vector<16x1xi32>
      %gather3A_524 = vector.shape_cast %broadcast_in_dim3A_523 : vector<16x1xi32> to vector<16xi32>
      %gather3A_525 = tpu.dynamic_gather %sub3A_447[%gather3A_524] in [0] : vector<16xf32>, vector<16xi32> -> vector<16xf32>
      %broadcast_in_dim3A_526 = vector.shape_cast %add3A_294 : vector<16xi32> to vector<16x1xi32>
      %gather3A_527 = vector.shape_cast %broadcast_in_dim3A_526 : vector<16x1xi32> to vector<16xi32>
      %gather3A_528 = tpu.dynamic_gather %sub3A_443[%gather3A_527] in [0] : vector<16xf32>, vector<16xi32> -> vector<16xf32>
      %select_n3A_529 = arith.select %or3A_52, %gather3A_528, %gather3A_525 : vector<16xi1>, vector<16xf32>
      %broadcast_in_dim3A_530 = vector.shape_cast %add3A_206 : vector<16xi32> to vector<16x1xi32>
      %gather3A_531 = vector.shape_cast %broadcast_in_dim3A_530 : vector<16x1xi32> to vector<16xi32>
      %gather3A_532 = tpu.dynamic_gather %sub3A_439[%gather3A_531] in [0] : vector<16xf32>, vector<16xi32> -> vector<16xf32>
      %select_n3A_533 = arith.select %or3A_51, %gather3A_532, %select_n3A_529 : vector<16xi1>, vector<16xf32>
      %broadcast_in_dim3A_534 = vector.shape_cast %add3A_118 : vector<16xi32> to vector<16x1xi32>
      %gather3A_535 = vector.shape_cast %broadcast_in_dim3A_534 : vector<16x1xi32> to vector<16xi32>
      %gather3A_536 = tpu.dynamic_gather %sub3A_435[%gather3A_535] in [0] : vector<16xf32>, vector<16xi32> -> vector<16xf32>
      %select_n3A_537 = arith.select %or3A, %gather3A_536, %select_n3A_533 : vector<16xi1>, vector<16xf32>
      %broadcast_in_dim3A_538 = vector.shape_cast %add3A_393 : vector<16xi32> to vector<16x1xi32>
      %gather3A_539 = vector.shape_cast %broadcast_in_dim3A_538 : vector<16x1xi32> to vector<16xi32>
      %gather3A_540 = tpu.dynamic_gather %sub3A_447[%gather3A_539] in [0] : vector<16xf32>, vector<16xi32> -> vector<16xf32>
      %broadcast_in_dim3A_541 = vector.shape_cast %add3A_305 : vector<16xi32> to vector<16x1xi32>
      %gather3A_542 = vector.shape_cast %broadcast_in_dim3A_541 : vector<16x1xi32> to vector<16xi32>
      %gather3A_543 = tpu.dynamic_gather %sub3A_443[%gather3A_542] in [0] : vector<16xf32>, vector<16xi32> -> vector<16xf32>
      %select_n3A_544 = arith.select %or3A_52, %gather3A_543, %gather3A_540 : vector<16xi1>, vector<16xf32>
      %broadcast_in_dim3A_545 = vector.shape_cast %add3A_217 : vector<16xi32> to vector<16x1xi32>
      %gather3A_546 = vector.shape_cast %broadcast_in_dim3A_545 : vector<16x1xi32> to vector<16xi32>
      %gather3A_547 = tpu.dynamic_gather %sub3A_439[%gather3A_546] in [0] : vector<16xf32>, vector<16xi32> -> vector<16xf32>
      %select_n3A_548 = arith.select %or3A_51, %gather3A_547, %select_n3A_544 : vector<16xi1>, vector<16xf32>
      %broadcast_in_dim3A_549 = vector.shape_cast %add3A_129 : vector<16xi32> to vector<16x1xi32>
      %gather3A_550 = vector.shape_cast %broadcast_in_dim3A_549 : vector<16x1xi32> to vector<16xi32>
      %gather3A_551 = tpu.dynamic_gather %sub3A_435[%gather3A_550] in [0] : vector<16xf32>, vector<16xi32> -> vector<16xf32>
      %select_n3A_552 = arith.select %or3A, %gather3A_551, %select_n3A_548 : vector<16xi1>, vector<16xf32>
      %broadcast_in_dim3A_553 = vector.shape_cast %add3A_404 : vector<16xi32> to vector<16x1xi32>
      %gather3A_554 = vector.shape_cast %broadcast_in_dim3A_553 : vector<16x1xi32> to vector<16xi32>
      %gather3A_555 = tpu.dynamic_gather %sub3A_447[%gather3A_554] in [0] : vector<16xf32>, vector<16xi32> -> vector<16xf32>
      %broadcast_in_dim3A_556 = vector.shape_cast %add3A_316 : vector<16xi32> to vector<16x1xi32>
      %gather3A_557 = vector.shape_cast %broadcast_in_dim3A_556 : vector<16x1xi32> to vector<16xi32>
      %gather3A_558 = tpu.dynamic_gather %sub3A_443[%gather3A_557] in [0] : vector<16xf32>, vector<16xi32> -> vector<16xf32>
      %select_n3A_559 = arith.select %or3A_52, %gather3A_558, %gather3A_555 : vector<16xi1>, vector<16xf32>
      %broadcast_in_dim3A_560 = vector.shape_cast %add3A_228 : vector<16xi32> to vector<16x1xi32>
      %gather3A_561 = vector.shape_cast %broadcast_in_dim3A_560 : vector<16x1xi32> to vector<16xi32>
      %gather3A_562 = tpu.dynamic_gather %sub3A_439[%gather3A_561] in [0] : vector<16xf32>, vector<16xi32> -> vector<16xf32>
      %select_n3A_563 = arith.select %or3A_51, %gather3A_562, %select_n3A_559 : vector<16xi1>, vector<16xf32>
      %broadcast_in_dim3A_564 = vector.shape_cast %add3A_140 : vector<16xi32> to vector<16x1xi32>
      %gather3A_565 = vector.shape_cast %broadcast_in_dim3A_564 : vector<16x1xi32> to vector<16xi32>
      %gather3A_566 = tpu.dynamic_gather %sub3A_435[%gather3A_565] in [0] : vector<16xf32>, vector<16xi32> -> vector<16xf32>
      %select_n3A_567 = arith.select %or3A, %gather3A_566, %select_n3A_563 : vector<16xi1>, vector<16xf32>
      %broadcast_in_dim3A_568 = vector.shape_cast %add3A_327 : vector<16xi32> to vector<16x1xi32>
      %gather3A_569 = vector.shape_cast %broadcast_in_dim3A_568 : vector<16x1xi32> to vector<16xi32>
      %gather3A_570 = tpu.dynamic_gather %get3A_415[%gather3A_569] in [0] : vector<16xf32>, vector<16xi32> -> vector<16xf32>
      %broadcast_in_dim3A_571 = vector.shape_cast %add3A_239 : vector<16xi32> to vector<16x1xi32>
      %gather3A_572 = vector.shape_cast %broadcast_in_dim3A_571 : vector<16x1xi32> to vector<16xi32>
      %gather3A_573 = tpu.dynamic_gather %get3A_412[%gather3A_572] in [0] : vector<16xf32>, vector<16xi32> -> vector<16xf32>
      %select_n3A_574 = arith.select %or3A_52, %gather3A_573, %gather3A_570 : vector<16xi1>, vector<16xf32>
      %broadcast_in_dim3A_575 = vector.shape_cast %add3A_151 : vector<16xi32> to vector<16x1xi32>
      %gather3A_576 = vector.shape_cast %broadcast_in_dim3A_575 : vector<16x1xi32> to vector<16xi32>
      %gather3A_577 = tpu.dynamic_gather %get3A_409[%gather3A_576] in [0] : vector<16xf32>, vector<16xi32> -> vector<16xf32>
      %select_n3A_578 = arith.select %or3A_51, %gather3A_577, %select_n3A_574 : vector<16xi1>, vector<16xf32>
      %broadcast_in_dim3A_579 = vector.shape_cast %add3A_63 : vector<16xi32> to vector<16x1xi32>
      %gather3A_580 = vector.shape_cast %broadcast_in_dim3A_579 : vector<16x1xi32> to vector<16xi32>
      %gather3A_581 = tpu.dynamic_gather %get3A_406[%gather3A_580] in [0] : vector<16xf32>, vector<16xi32> -> vector<16xf32>
      %select_n3A_582 = arith.select %or3A, %gather3A_581, %select_n3A_578 : vector<16xi1>, vector<16xf32>
      %broadcast_in_dim3A_583 = vector.shape_cast %add3A_338 : vector<16xi32> to vector<16x1xi32>
      %gather3A_584 = vector.shape_cast %broadcast_in_dim3A_583 : vector<16x1xi32> to vector<16xi32>
      %gather3A_585 = tpu.dynamic_gather %get3A_415[%gather3A_584] in [0] : vector<16xf32>, vector<16xi32> -> vector<16xf32>
      %broadcast_in_dim3A_586 = vector.shape_cast %add3A_250 : vector<16xi32> to vector<16x1xi32>
      %gather3A_587 = vector.shape_cast %broadcast_in_dim3A_586 : vector<16x1xi32> to vector<16xi32>
      %gather3A_588 = tpu.dynamic_gather %get3A_412[%gather3A_587] in [0] : vector<16xf32>, vector<16xi32> -> vector<16xf32>
      %select_n3A_589 = arith.select %or3A_52, %gather3A_588, %gather3A_585 : vector<16xi1>, vector<16xf32>
      %broadcast_in_dim3A_590 = vector.shape_cast %add3A_162 : vector<16xi32> to vector<16x1xi32>
      %gather3A_591 = vector.shape_cast %broadcast_in_dim3A_590 : vector<16x1xi32> to vector<16xi32>
      %gather3A_592 = tpu.dynamic_gather %get3A_409[%gather3A_591] in [0] : vector<16xf32>, vector<16xi32> -> vector<16xf32>
      %select_n3A_593 = arith.select %or3A_51, %gather3A_592, %select_n3A_589 : vector<16xi1>, vector<16xf32>
      %broadcast_in_dim3A_594 = vector.shape_cast %add3A_74 : vector<16xi32> to vector<16x1xi32>
      %gather3A_595 = vector.shape_cast %broadcast_in_dim3A_594 : vector<16x1xi32> to vector<16xi32>
      %gather3A_596 = tpu.dynamic_gather %get3A_406[%gather3A_595] in [0] : vector<16xf32>, vector<16xi32> -> vector<16xf32>
      %select_n3A_597 = arith.select %or3A, %gather3A_596, %select_n3A_593 : vector<16xi1>, vector<16xf32>
      %broadcast_in_dim3A_598 = vector.shape_cast %add3A_349 : vector<16xi32> to vector<16x1xi32>
      %gather3A_599 = vector.shape_cast %broadcast_in_dim3A_598 : vector<16x1xi32> to vector<16xi32>
      %gather3A_600 = tpu.dynamic_gather %get3A_415[%gather3A_599] in [0] : vector<16xf32>, vector<16xi32> -> vector<16xf32>
      %broadcast_in_dim3A_601 = vector.shape_cast %add3A_261 : vector<16xi32> to vector<16x1xi32>
      %gather3A_602 = vector.shape_cast %broadcast_in_dim3A_601 : vector<16x1xi32> to vector<16xi32>
      %gather3A_603 = tpu.dynamic_gather %get3A_412[%gather3A_602] in [0] : vector<16xf32>, vector<16xi32> -> vector<16xf32>
      %select_n3A_604 = arith.select %or3A_52, %gather3A_603, %gather3A_600 : vector<16xi1>, vector<16xf32>
      %broadcast_in_dim3A_605 = vector.shape_cast %add3A_173 : vector<16xi32> to vector<16x1xi32>
      %gather3A_606 = vector.shape_cast %broadcast_in_dim3A_605 : vector<16x1xi32> to vector<16xi32>
      %gather3A_607 = tpu.dynamic_gather %get3A_409[%gather3A_606] in [0] : vector<16xf32>, vector<16xi32> -> vector<16xf32>
      %select_n3A_608 = arith.select %or3A_51, %gather3A_607, %select_n3A_604 : vector<16xi1>, vector<16xf32>
      %broadcast_in_dim3A_609 = vector.shape_cast %add3A_85 : vector<16xi32> to vector<16x1xi32>
      %gather3A_610 = vector.shape_cast %broadcast_in_dim3A_609 : vector<16x1xi32> to vector<16xi32>
      %gather3A_611 = tpu.dynamic_gather %get3A_406[%gather3A_610] in [0] : vector<16xf32>, vector<16xi32> -> vector<16xf32>
      %select_n3A_612 = arith.select %or3A, %gather3A_611, %select_n3A_608 : vector<16xi1>, vector<16xf32>
      %broadcast_in_dim3A_613 = vector.shape_cast %add3A_360 : vector<16xi32> to vector<16x1xi32>
      %gather3A_614 = vector.shape_cast %broadcast_in_dim3A_613 : vector<16x1xi32> to vector<16xi32>
      %gather3A_615 = tpu.dynamic_gather %get3A_415[%gather3A_614] in [0] : vector<16xf32>, vector<16xi32> -> vector<16xf32>
      %broadcast_in_dim3A_616 = vector.shape_cast %add3A_272 : vector<16xi32> to vector<16x1xi32>
      %gather3A_617 = vector.shape_cast %broadcast_in_dim3A_616 : vector<16x1xi32> to vector<16xi32>
      %gather3A_618 = tpu.dynamic_gather %get3A_412[%gather3A_617] in [0] : vector<16xf32>, vector<16xi32> -> vector<16xf32>
      %select_n3A_619 = arith.select %or3A_52, %gather3A_618, %gather3A_615 : vector<16xi1>, vector<16xf32>
      %broadcast_in_dim3A_620 = vector.shape_cast %add3A_184 : vector<16xi32> to vector<16x1xi32>
      %gather3A_621 = vector.shape_cast %broadcast_in_dim3A_620 : vector<16x1xi32> to vector<16xi32>
      %gather3A_622 = tpu.dynamic_gather %get3A_409[%gather3A_621] in [0] : vector<16xf32>, vector<16xi32> -> vector<16xf32>
      %select_n3A_623 = arith.select %or3A_51, %gather3A_622, %select_n3A_619 : vector<16xi1>, vector<16xf32>
      %broadcast_in_dim3A_624 = vector.shape_cast %add3A_96 : vector<16xi32> to vector<16x1xi32>
      %gather3A_625 = vector.shape_cast %broadcast_in_dim3A_624 : vector<16x1xi32> to vector<16xi32>
      %gather3A_626 = tpu.dynamic_gather %get3A_406[%gather3A_625] in [0] : vector<16xf32>, vector<16xi32> -> vector<16xf32>
      %select_n3A_627 = arith.select %or3A, %gather3A_626, %select_n3A_623 : vector<16xi1>, vector<16xf32>
      %broadcast_in_dim3A_628 = vector.shape_cast %add3A_371 : vector<16xi32> to vector<16x1xi32>
      %gather3A_629 = vector.shape_cast %broadcast_in_dim3A_628 : vector<16x1xi32> to vector<16xi32>
      %gather3A_630 = tpu.dynamic_gather %get3A_415[%gather3A_629] in [0] : vector<16xf32>, vector<16xi32> -> vector<16xf32>
      %broadcast_in_dim3A_631 = vector.shape_cast %add3A_283 : vector<16xi32> to vector<16x1xi32>
      %gather3A_632 = vector.shape_cast %broadcast_in_dim3A_631 : vector<16x1xi32> to vector<16xi32>
      %gather3A_633 = tpu.dynamic_gather %get3A_412[%gather3A_632] in [0] : vector<16xf32>, vector<16xi32> -> vector<16xf32>
      %select_n3A_634 = arith.select %or3A_52, %gather3A_633, %gather3A_630 : vector<16xi1>, vector<16xf32>
      %broadcast_in_dim3A_635 = vector.shape_cast %add3A_195 : vector<16xi32> to vector<16x1xi32>
      %gather3A_636 = vector.shape_cast %broadcast_in_dim3A_635 : vector<16x1xi32> to vector<16xi32>
      %gather3A_637 = tpu.dynamic_gather %get3A_409[%gather3A_636] in [0] : vector<16xf32>, vector<16xi32> -> vector<16xf32>
      %select_n3A_638 = arith.select %or3A_51, %gather3A_637, %select_n3A_634 : vector<16xi1>, vector<16xf32>
      %broadcast_in_dim3A_639 = vector.shape_cast %add3A_107 : vector<16xi32> to vector<16x1xi32>
      %gather3A_640 = vector.shape_cast %broadcast_in_dim3A_639 : vector<16x1xi32> to vector<16xi32>
      %gather3A_641 = tpu.dynamic_gather %get3A_406[%gather3A_640] in [0] : vector<16xf32>, vector<16xi32> -> vector<16xf32>
      %select_n3A_642 = arith.select %or3A, %gather3A_641, %select_n3A_638 : vector<16xi1>, vector<16xf32>
      %broadcast_in_dim3A_643 = vector.shape_cast %add3A_382 : vector<16xi32> to vector<16x1xi32>
      %gather3A_644 = vector.shape_cast %broadcast_in_dim3A_643 : vector<16x1xi32> to vector<16xi32>
      %gather3A_645 = tpu.dynamic_gather %get3A_415[%gather3A_644] in [0] : vector<16xf32>, vector<16xi32> -> vector<16xf32>
      %broadcast_in_dim3A_646 = vector.shape_cast %add3A_294 : vector<16xi32> to vector<16x1xi32>
      %gather3A_647 = vector.shape_cast %broadcast_in_dim3A_646 : vector<16x1xi32> to vector<16xi32>
      %gather3A_648 = tpu.dynamic_gather %get3A_412[%gather3A_647] in [0] : vector<16xf32>, vector<16xi32> -> vector<16xf32>
      %select_n3A_649 = arith.select %or3A_52, %gather3A_648, %gather3A_645 : vector<16xi1>, vector<16xf32>
      %broadcast_in_dim3A_650 = vector.shape_cast %add3A_206 : vector<16xi32> to vector<16x1xi32>
      %gather3A_651 = vector.shape_cast %broadcast_in_dim3A_650 : vector<16x1xi32> to vector<16xi32>
      %gather3A_652 = tpu.dynamic_gather %get3A_409[%gather3A_651] in [0] : vector<16xf32>, vector<16xi32> -> vector<16xf32>
      %select_n3A_653 = arith.select %or3A_51, %gather3A_652, %select_n3A_649 : vector<16xi1>, vector<16xf32>
      %broadcast_in_dim3A_654 = vector.shape_cast %add3A_118 : vector<16xi32> to vector<16x1xi32>
      %gather3A_655 = vector.shape_cast %broadcast_in_dim3A_654 : vector<16x1xi32> to vector<16xi32>
      %gather3A_656 = tpu.dynamic_gather %get3A_406[%gather3A_655] in [0] : vector<16xf32>, vector<16xi32> -> vector<16xf32>
      %select_n3A_657 = arith.select %or3A, %gather3A_656, %select_n3A_653 : vector<16xi1>, vector<16xf32>
      %broadcast_in_dim3A_658 = vector.shape_cast %add3A_393 : vector<16xi32> to vector<16x1xi32>
      %gather3A_659 = vector.shape_cast %broadcast_in_dim3A_658 : vector<16x1xi32> to vector<16xi32>
      %gather3A_660 = tpu.dynamic_gather %get3A_415[%gather3A_659] in [0] : vector<16xf32>, vector<16xi32> -> vector<16xf32>
      %broadcast_in_dim3A_661 = vector.shape_cast %add3A_305 : vector<16xi32> to vector<16x1xi32>
      %gather3A_662 = vector.shape_cast %broadcast_in_dim3A_661 : vector<16x1xi32> to vector<16xi32>
      %gather3A_663 = tpu.dynamic_gather %get3A_412[%gather3A_662] in [0] : vector<16xf32>, vector<16xi32> -> vector<16xf32>
      %select_n3A_664 = arith.select %or3A_52, %gather3A_663, %gather3A_660 : vector<16xi1>, vector<16xf32>
      %broadcast_in_dim3A_665 = vector.shape_cast %add3A_217 : vector<16xi32> to vector<16x1xi32>
      %gather3A_666 = vector.shape_cast %broadcast_in_dim3A_665 : vector<16x1xi32> to vector<16xi32>
      %gather3A_667 = tpu.dynamic_gather %get3A_409[%gather3A_666] in [0] : vector<16xf32>, vector<16xi32> -> vector<16xf32>
      %select_n3A_668 = arith.select %or3A_51, %gather3A_667, %select_n3A_664 : vector<16xi1>, vector<16xf32>
      %broadcast_in_dim3A_669 = vector.shape_cast %add3A_129 : vector<16xi32> to vector<16x1xi32>
      %gather3A_670 = vector.shape_cast %broadcast_in_dim3A_669 : vector<16x1xi32> to vector<16xi32>
      %gather3A_671 = tpu.dynamic_gather %get3A_406[%gather3A_670] in [0] : vector<16xf32>, vector<16xi32> -> vector<16xf32>
      %select_n3A_672 = arith.select %or3A, %gather3A_671, %select_n3A_668 : vector<16xi1>, vector<16xf32>
      %broadcast_in_dim3A_673 = vector.shape_cast %add3A_404 : vector<16xi32> to vector<16x1xi32>
      %gather3A_674 = vector.shape_cast %broadcast_in_dim3A_673 : vector<16x1xi32> to vector<16xi32>
      %gather3A_675 = tpu.dynamic_gather %get3A_415[%gather3A_674] in [0] : vector<16xf32>, vector<16xi32> -> vector<16xf32>
      %broadcast_in_dim3A_676 = vector.shape_cast %add3A_316 : vector<16xi32> to vector<16x1xi32>
      %gather3A_677 = vector.shape_cast %broadcast_in_dim3A_676 : vector<16x1xi32> to vector<16xi32>
      %gather3A_678 = tpu.dynamic_gather %get3A_412[%gather3A_677] in [0] : vector<16xf32>, vector<16xi32> -> vector<16xf32>
      %select_n3A_679 = arith.select %or3A_52, %gather3A_678, %gather3A_675 : vector<16xi1>, vector<16xf32>
      %broadcast_in_dim3A_680 = vector.shape_cast %add3A_228 : vector<16xi32> to vector<16x1xi32>
      %gather3A_681 = vector.shape_cast %broadcast_in_dim3A_680 : vector<16x1xi32> to vector<16xi32>
      %gather3A_682 = tpu.dynamic_gather %get3A_409[%gather3A_681] in [0] : vector<16xf32>, vector<16xi32> -> vector<16xf32>
      %select_n3A_683 = arith.select %or3A_51, %gather3A_682, %select_n3A_679 : vector<16xi1>, vector<16xf32>
      %broadcast_in_dim3A_684 = vector.shape_cast %add3A_140 : vector<16xi32> to vector<16x1xi32>
      %gather3A_685 = vector.shape_cast %broadcast_in_dim3A_684 : vector<16x1xi32> to vector<16xi32>
      %gather3A_686 = tpu.dynamic_gather %get3A_406[%gather3A_685] in [0] : vector<16xf32>, vector<16xi32> -> vector<16xf32>
      %select_n3A_687 = arith.select %or3A, %gather3A_686, %select_n3A_683 : vector<16xi1>, vector<16xf32>
      tpu.wait_dma2 semaphore(%arg13 : memref<!tpu.dma_semaphore, #tpu.memory_space<semaphore_mem>>) src(%arg2 : memref<288xf32, #tpu.memory_space<hbm>>) dst(%arg7 : memref<288xf32, #tpu.memory_space<vmem>>)
      %get3A_688 = arith.constant 0 : index
      %get3A_689 = tpu.vector_load %arg7[%get3A_688] {strides = array<i32>} : memref<288xf32, #tpu.memory_space<vmem>>, vector<16xf32>,
      %get3A_690 = vector.shape_cast %get3A_689 : vector<16xf32> to vector<16xf32>
      %scan3A = arith.constant 1 : i32
      %scan3A_691 = arith.constant 17 : i32
      %scan3A_692 = arith.addi %scan3A, %scan3A_691 : i32
      %scan3A_693 = arith.constant 1 : i32
      %scan3A_694 = scf.for %scan3A_824 = %scan3A to %scan3A_692 step %scan3A_693 iter_args(%scan3A_825 = %get3A_690) -> (vector<16xf32>)  : i32 {
        %mul3A_826 = arith.constant 16 : i32
        %mul3A_827 = arith.muli %mul3A_826, %scan3A_824 : i32
        %multiple_of3A = tpu.assume_multiple %mul3A_827, 16 : i32
        %get3A_828 = arith.index_cast %multiple_of3A : i32 to index
        %get3A_829 = tpu.vector_load %arg7[%get3A_828] {strides = array<i32>} : memref<288xf32, #tpu.memory_space<vmem>>, vector<16xf32>,
        %get3A_830 = vector.shape_cast %get3A_829 : vector<16xf32> to vector<16xf32>
        %add3A_831 = arith.addf %scan3A_825, %get3A_830 : vector<16xf32>
        scf.yield %add3A_831 : vector<16xf32>
      }
      %scan3A_695 = arith.constant 17 : i32
      %add3A_696 = arith.constant 8 : i32
      %add3A_697 = vector.broadcast %add3A_696 : i32 to vector<16xi32>
      %add3A_698 = arith.addi %select_n3A_25, %add3A_697 : vector<16xi32>
      %broadcast_in_dim3A_699 = vector.shape_cast %add3A_698 : vector<16xi32> to vector<16x1xi32>
      %gather3A_700 = vector.shape_cast %broadcast_in_dim3A_699 : vector<16x1xi32> to vector<16xi32>
      %gather3A_701 = tpu.dynamic_gather %scan3A_694[%gather3A_700] in [0] : vector<16xf32>, vector<16xi32> -> vector<16xf32>
      %add3A_702 = arith.addf %scan3A_694, %gather3A_701 : vector<16xf32>
      %broadcast_in_dim3A_703 = vector.shape_cast %select_n3A_25 : vector<16xi32> to vector<16x1xi32>
      %gather3A_704 = vector.shape_cast %broadcast_in_dim3A_703 : vector<16x1xi32> to vector<16xi32>
      %gather3A_705 = tpu.dynamic_gather %add3A_702[%gather3A_704] in [0] : vector<16xf32>, vector<16xi32> -> vector<16xf32>
      %add3A_706 = arith.constant 0 : i32
      %add3A_707 = vector.broadcast %add3A_706 : i32 to vector<16xi32>
      %add3A_708 = arith.addi %sub3A_26, %add3A_707 : vector<16xi32>
      %broadcast_in_dim3A_709 = vector.shape_cast %add3A_708 : vector<16xi32> to vector<16x1xi32>
      %gather3A_710 = vector.shape_cast %broadcast_in_dim3A_709 : vector<16x1xi32> to vector<16xi32>
      %gather3A_711 = tpu.dynamic_gather %gather3A_705[%gather3A_710] in [0] : vector<16xf32>, vector<16xi32> -> vector<16xf32>
      %mul3A_712 = arith.mulf %gather3A_711, %select_n3A_582 : vector<16xf32>
      %mul3A_713 = arith.constant 0.0285714287 : f32
      %mul3A_714 = vector.broadcast %mul3A_713 : f32 to vector<16xf32>
      %mul3A_715 = arith.mulf %mul3A_712, %mul3A_714 : vector<16xf32>
      %add3A_716 = arith.addf %gather3A_432, %mul3A_715 : vector<16xf32>
      %add3A_717 = arith.constant 1 : i32
      %add3A_718 = vector.broadcast %add3A_717 : i32 to vector<16xi32>
      %add3A_719 = arith.addi %sub3A_26, %add3A_718 : vector<16xi32>
      %broadcast_in_dim3A_720 = vector.shape_cast %add3A_719 : vector<16xi32> to vector<16x1xi32>
      %gather3A_721 = vector.shape_cast %broadcast_in_dim3A_720 : vector<16x1xi32> to vector<16xi32>
      %gather3A_722 = tpu.dynamic_gather %gather3A_705[%gather3A_721] in [0] : vector<16xf32>, vector<16xi32> -> vector<16xf32>
      %mul3A_723 = arith.mulf %gather3A_722, %select_n3A_597 : vector<16xf32>
      %mul3A_724 = arith.constant 0.0285714287 : f32
      %mul3A_725 = vector.broadcast %mul3A_724 : f32 to vector<16xf32>
      %mul3A_726 = arith.mulf %mul3A_723, %mul3A_725 : vector<16xf32>
      %add3A_727 = arith.addf %add3A_716, %mul3A_726 : vector<16xf32>
      %add3A_728 = arith.constant 2 : i32
      %add3A_729 = vector.broadcast %add3A_728 : i32 to vector<16xi32>
      %add3A_730 = arith.addi %sub3A_26, %add3A_729 : vector<16xi32>
      %broadcast_in_dim3A_731 = vector.shape_cast %add3A_730 : vector<16xi32> to vector<16x1xi32>
      %gather3A_732 = vector.shape_cast %broadcast_in_dim3A_731 : vector<16x1xi32> to vector<16xi32>
      %gather3A_733 = tpu.dynamic_gather %gather3A_705[%gather3A_732] in [0] : vector<16xf32>, vector<16xi32> -> vector<16xf32>
      %mul3A_734 = arith.mulf %gather3A_733, %select_n3A_612 : vector<16xf32>
      %mul3A_735 = arith.constant 0.0285714287 : f32
      %mul3A_736 = vector.broadcast %mul3A_735 : f32 to vector<16xf32>
      %mul3A_737 = arith.mulf %mul3A_734, %mul3A_736 : vector<16xf32>
      %add3A_738 = arith.addf %add3A_727, %mul3A_737 : vector<16xf32>
      %add3A_739 = arith.constant 3 : i32
      %add3A_740 = vector.broadcast %add3A_739 : i32 to vector<16xi32>
      %add3A_741 = arith.addi %sub3A_26, %add3A_740 : vector<16xi32>
      %broadcast_in_dim3A_742 = vector.shape_cast %add3A_741 : vector<16xi32> to vector<16x1xi32>
      %gather3A_743 = vector.shape_cast %broadcast_in_dim3A_742 : vector<16x1xi32> to vector<16xi32>
      %gather3A_744 = tpu.dynamic_gather %gather3A_705[%gather3A_743] in [0] : vector<16xf32>, vector<16xi32> -> vector<16xf32>
      %mul3A_745 = arith.mulf %gather3A_744, %select_n3A_627 : vector<16xf32>
      %mul3A_746 = arith.constant 0.0285714287 : f32
      %mul3A_747 = vector.broadcast %mul3A_746 : f32 to vector<16xf32>
      %mul3A_748 = arith.mulf %mul3A_745, %mul3A_747 : vector<16xf32>
      %add3A_749 = arith.addf %add3A_738, %mul3A_748 : vector<16xf32>
      %add3A_750 = arith.constant 4 : i32
      %add3A_751 = vector.broadcast %add3A_750 : i32 to vector<16xi32>
      %add3A_752 = arith.addi %sub3A_26, %add3A_751 : vector<16xi32>
      %broadcast_in_dim3A_753 = vector.shape_cast %add3A_752 : vector<16xi32> to vector<16x1xi32>
      %gather3A_754 = vector.shape_cast %broadcast_in_dim3A_753 : vector<16x1xi32> to vector<16xi32>
      %gather3A_755 = tpu.dynamic_gather %gather3A_705[%gather3A_754] in [0] : vector<16xf32>, vector<16xi32> -> vector<16xf32>
      %mul3A_756 = arith.mulf %gather3A_755, %select_n3A_642 : vector<16xf32>
      %mul3A_757 = arith.constant 0.0285714287 : f32
      %mul3A_758 = vector.broadcast %mul3A_757 : f32 to vector<16xf32>
      %mul3A_759 = arith.mulf %mul3A_756, %mul3A_758 : vector<16xf32>
      %add3A_760 = arith.addf %add3A_749, %mul3A_759 : vector<16xf32>
      %add3A_761 = arith.constant 5 : i32
      %add3A_762 = vector.broadcast %add3A_761 : i32 to vector<16xi32>
      %add3A_763 = arith.addi %sub3A_26, %add3A_762 : vector<16xi32>
      %broadcast_in_dim3A_764 = vector.shape_cast %add3A_763 : vector<16xi32> to vector<16x1xi32>
      %gather3A_765 = vector.shape_cast %broadcast_in_dim3A_764 : vector<16x1xi32> to vector<16xi32>
      %gather3A_766 = tpu.dynamic_gather %gather3A_705[%gather3A_765] in [0] : vector<16xf32>, vector<16xi32> -> vector<16xf32>
      %mul3A_767 = arith.mulf %gather3A_766, %select_n3A_657 : vector<16xf32>
      %mul3A_768 = arith.constant 0.0285714287 : f32
      %mul3A_769 = vector.broadcast %mul3A_768 : f32 to vector<16xf32>
      %mul3A_770 = arith.mulf %mul3A_767, %mul3A_769 : vector<16xf32>
      %add3A_771 = arith.addf %add3A_760, %mul3A_770 : vector<16xf32>
      %add3A_772 = arith.constant 6 : i32
      %add3A_773 = vector.broadcast %add3A_772 : i32 to vector<16xi32>
      %add3A_774 = arith.addi %sub3A_26, %add3A_773 : vector<16xi32>
      %broadcast_in_dim3A_775 = vector.shape_cast %add3A_774 : vector<16xi32> to vector<16x1xi32>
      %gather3A_776 = vector.shape_cast %broadcast_in_dim3A_775 : vector<16x1xi32> to vector<16xi32>
      %gather3A_777 = tpu.dynamic_gather %gather3A_705[%gather3A_776] in [0] : vector<16xf32>, vector<16xi32> -> vector<16xf32>
      %mul3A_778 = arith.mulf %gather3A_777, %select_n3A_672 : vector<16xf32>
      %mul3A_779 = arith.constant 0.0285714287 : f32
      %mul3A_780 = vector.broadcast %mul3A_779 : f32 to vector<16xf32>
      %mul3A_781 = arith.mulf %mul3A_778, %mul3A_780 : vector<16xf32>
      %add3A_782 = arith.addf %add3A_771, %mul3A_781 : vector<16xf32>
      %add3A_783 = arith.constant 7 : i32
      %add3A_784 = vector.broadcast %add3A_783 : i32 to vector<16xi32>
      %add3A_785 = arith.addi %sub3A_26, %add3A_784 : vector<16xi32>
      %broadcast_in_dim3A_786 = vector.shape_cast %add3A_785 : vector<16xi32> to vector<16x1xi32>
      %gather3A_787 = vector.shape_cast %broadcast_in_dim3A_786 : vector<16x1xi32> to vector<16xi32>
      %gather3A_788 = tpu.dynamic_gather %gather3A_705[%gather3A_787] in [0] : vector<16xf32>, vector<16xi32> -> vector<16xf32>
      %mul3A_789 = arith.mulf %gather3A_788, %select_n3A_687 : vector<16xf32>
      %mul3A_790 = arith.constant 0.0285714287 : f32
      %mul3A_791 = vector.broadcast %mul3A_790 : f32 to vector<16xf32>
      %mul3A_792 = arith.mulf %mul3A_789, %mul3A_791 : vector<16xf32>
      %add3A_793 = arith.addf %add3A_782, %mul3A_792 : vector<16xf32>
      %add3A_794 = arith.constant 0 : i32
      %add3A_795 = vector.broadcast %add3A_794 : i32 to vector<16xi32>
      %add3A_796 = arith.addi %sub3A, %add3A_795 : vector<16xi32>
      %add3A_797 = arith.constant 1 : i32
      %add3A_798 = vector.broadcast %add3A_797 : i32 to vector<16xi32>
      %add3A_799 = arith.addi %sub3A, %add3A_798 : vector<16xi32>
      %add3A_800 = arith.constant 2 : i32
      %add3A_801 = vector.broadcast %add3A_800 : i32 to vector<16xi32>
      %add3A_802 = arith.addi %sub3A, %add3A_801 : vector<16xi32>
      %add3A_803 = arith.constant 3 : i32
      %add3A_804 = vector.broadcast %add3A_803 : i32 to vector<16xi32>
      %add3A_805 = arith.addi %sub3A, %add3A_804 : vector<16xi32>
      %add3A_806 = arith.constant 4 : i32
      %add3A_807 = vector.broadcast %add3A_806 : i32 to vector<16xi32>
      %add3A_808 = arith.addi %sub3A, %add3A_807 : vector<16xi32>
      %add3A_809 = arith.constant 5 : i32
      %add3A_810 = vector.broadcast %add3A_809 : i32 to vector<16xi32>
      %add3A_811 = arith.addi %sub3A, %add3A_810 : vector<16xi32>
      %add3A_812 = arith.constant 6 : i32
      %add3A_813 = vector.broadcast %add3A_812 : i32 to vector<16xi32>
      %add3A_814 = arith.addi %sub3A, %add3A_813 : vector<16xi32>
      %add3A_815 = arith.constant 7 : i32
      %add3A_816 = vector.broadcast %add3A_815 : i32 to vector<16xi32>
      %add3A_817 = arith.addi %sub3A, %add3A_816 : vector<16xi32>
      %scan3A_818 = arith.constant 0 : i32
      %scan3A_819 = arith.constant 0 : i32
      %scan3A_820 = arith.constant 18 : i32
      %scan3A_821 = arith.addi %scan3A_819, %scan3A_820 : i32
      %scan3A_822 = arith.constant 1 : i32
      scf.for %scan3A_824 = %scan3A_819 to %scan3A_821 step %scan3A_822  : i32 {
        %mul3A_825 = arith.constant 16 : i32
        %mul3A_826 = arith.muli %mul3A_825, %scan3A_824 : i32
        %multiple_of3A = tpu.assume_multiple %mul3A_826, 16 : i32
        %get3A_827 = arith.index_cast %multiple_of3A : i32 to index
        %get3A_828 = tpu.vector_load %arg7[%get3A_827] {strides = array<i32>} : memref<288xf32, #tpu.memory_space<vmem>>, vector<16xf32>,
        %get3A_829 = vector.shape_cast %get3A_828 : vector<16xf32> to vector<16xf32>
        %broadcast_in_dim3A_830 = vector.shape_cast %add3A_796 : vector<16xi32> to vector<16x1xi32>
        %gather3A_831 = vector.shape_cast %broadcast_in_dim3A_830 : vector<16x1xi32> to vector<16xi32>
        %gather3A_832 = tpu.dynamic_gather %get3A_829[%gather3A_831] in [0] : vector<16xf32>, vector<16xi32> -> vector<16xf32>
        %mul3A_833 = arith.mulf %gather3A_832, %select_n3A_462 : vector<16xf32>
        %add3A_834 = arith.addf %add3A_793, %mul3A_833 : vector<16xf32>
        %broadcast_in_dim3A_835 = vector.shape_cast %add3A_799 : vector<16xi32> to vector<16x1xi32>
        %gather3A_836 = vector.shape_cast %broadcast_in_dim3A_835 : vector<16x1xi32> to vector<16xi32>
        %gather3A_837 = tpu.dynamic_gather %get3A_829[%gather3A_836] in [0] : vector<16xf32>, vector<16xi32> -> vector<16xf32>
        %mul3A_838 = arith.mulf %gather3A_837, %select_n3A_477 : vector<16xf32>
        %add3A_839 = arith.addf %add3A_834, %mul3A_838 : vector<16xf32>
        %broadcast_in_dim3A_840 = vector.shape_cast %add3A_802 : vector<16xi32> to vector<16x1xi32>
        %gather3A_841 = vector.shape_cast %broadcast_in_dim3A_840 : vector<16x1xi32> to vector<16xi32>
        %gather3A_842 = tpu.dynamic_gather %get3A_829[%gather3A_841] in [0] : vector<16xf32>, vector<16xi32> -> vector<16xf32>
        %mul3A_843 = arith.mulf %gather3A_842, %select_n3A_492 : vector<16xf32>
        %add3A_844 = arith.addf %add3A_839, %mul3A_843 : vector<16xf32>
        %broadcast_in_dim3A_845 = vector.shape_cast %add3A_805 : vector<16xi32> to vector<16x1xi32>
        %gather3A_846 = vector.shape_cast %broadcast_in_dim3A_845 : vector<16x1xi32> to vector<16xi32>
        %gather3A_847 = tpu.dynamic_gather %get3A_829[%gather3A_846] in [0] : vector<16xf32>, vector<16xi32> -> vector<16xf32>
        %mul3A_848 = arith.mulf %gather3A_847, %select_n3A_507 : vector<16xf32>
        %add3A_849 = arith.addf %add3A_844, %mul3A_848 : vector<16xf32>
        %broadcast_in_dim3A_850 = vector.shape_cast %add3A_808 : vector<16xi32> to vector<16x1xi32>
        %gather3A_851 = vector.shape_cast %broadcast_in_dim3A_850 : vector<16x1xi32> to vector<16xi32>
        %gather3A_852 = tpu.dynamic_gather %get3A_829[%gather3A_851] in [0] : vector<16xf32>, vector<16xi32> -> vector<16xf32>
        %mul3A_853 = arith.mulf %gather3A_852, %select_n3A_522 : vector<16xf32>
        %add3A_854 = arith.addf %add3A_849, %mul3A_853 : vector<16xf32>
        %broadcast_in_dim3A_855 = vector.shape_cast %add3A_811 : vector<16xi32> to vector<16x1xi32>
        %gather3A_856 = vector.shape_cast %broadcast_in_dim3A_855 : vector<16x1xi32> to vector<16xi32>
        %gather3A_857 = tpu.dynamic_gather %get3A_829[%gather3A_856] in [0] : vector<16xf32>, vector<16xi32> -> vector<16xf32>
        %mul3A_858 = arith.mulf %gather3A_857, %select_n3A_537 : vector<16xf32>
        %add3A_859 = arith.addf %add3A_854, %mul3A_858 : vector<16xf32>
        %broadcast_in_dim3A_860 = vector.shape_cast %add3A_814 : vector<16xi32> to vector<16x1xi32>
        %gather3A_861 = vector.shape_cast %broadcast_in_dim3A_860 : vector<16x1xi32> to vector<16xi32>
        %gather3A_862 = tpu.dynamic_gather %get3A_829[%gather3A_861] in [0] : vector<16xf32>, vector<16xi32> -> vector<16xf32>
        %mul3A_863 = arith.mulf %gather3A_862, %select_n3A_552 : vector<16xf32>
        %add3A_864 = arith.addf %add3A_859, %mul3A_863 : vector<16xf32>
        %broadcast_in_dim3A_865 = vector.shape_cast %add3A_817 : vector<16xi32> to vector<16x1xi32>
        %gather3A_866 = vector.shape_cast %broadcast_in_dim3A_865 : vector<16x1xi32> to vector<16xi32>
        %gather3A_867 = tpu.dynamic_gather %get3A_829[%gather3A_866] in [0] : vector<16xf32>, vector<16xi32> -> vector<16xf32>
        %mul3A_868 = arith.mulf %gather3A_867, %select_n3A_567 : vector<16xf32>
        %add3A_869 = arith.addf %add3A_864, %mul3A_868 : vector<16xf32>
        %swap3A = arith.index_cast %multiple_of3A : i32 to index
        %swap3A_870 = tpu.vector_load %arg11[%swap3A] {strides = array<i32>} : memref<288xf32, #tpu.memory_space<vmem>>, vector<16xf32>,
        %swap3A_871 = vector.shape_cast %swap3A_870 : vector<16xf32> to vector<16xf32>
        %swap3A_872 = vector.shape_cast %add3A_869 : vector<16xf32> to vector<16xf32>
        tpu.vector_store %arg11[%swap3A], %swap3A_872 {strides = array<i32>} : memref<288xf32, #tpu.memory_space<vmem>>, vector<16xf32>,
      }
      %scan3A_823 = arith.constant 18 : i32
      "tpu.region"() ({
        %run_scoped3A = tpu.sem_alloc : memref<!tpu.dma_semaphore, #tpu.memory_space<semaphore_mem>>
        tpu.enqueue_dma source(%arg11 : memref<288xf32, #tpu.memory_space<vmem>>) target(%arg6 : memref<288xf32, #tpu.memory_space<hbm>>) target_semaphore(%run_scoped3A : memref<!tpu.dma_semaphore, #tpu.memory_space<semaphore_mem>>)
        tpu.wait_dma2 semaphore(%run_scoped3A : memref<!tpu.dma_semaphore, #tpu.memory_space<semaphore_mem>>) src(%arg11 : memref<288xf32, #tpu.memory_space<vmem>>) dst(%arg6 : memref<288xf32, #tpu.memory_space<hbm>>)
        tpu.yield
      }) : () -> ()
    } else {
    }
    return
  }
}

</mosaic_0001>

<sc_bundles>
// kernel: kernel.3.cloned.1.call-start
scs
__scs_entry_jumppad:
0x0: {  	(pc) =	sbr.rel $0x88, $3  }
0x1: {  	(tag) =	ssettag $0x0;
	lr =	simm.s32 $0x1  }
0x2: {  	[smem:$0x3F9D] =	sst lr;
	_ =	strace $0xD0000000  }
0x3: {  	_ = 	snop  }
0x4: {  	_ = 	snop  }
0x5: {  	_ = 	snop  }
0x6: {  	_ = 	snop  }
0x7: {  	_ = 	snop  }
__scs_overlays_trampoline_lowered:
0x8: {  	[smem:$0x3FAC] =	sst s0  }
0x9: {  	[smem:$0x3FAD] =	sst s1  }
0xa: {  	[smem:$0x3FAE] =	sst s2  }
0xb: {  	[smem:$0x3FAF] =	sst s3  }
0xc: {  	[smem:$0x3FB0] =	sst s4  }
0xd: {  	[smem:$0x3FB1] =	sst s5  }
0xe: {  	[smem:$0x3FB2] =	sst s6  }
0xf: {  	[smem:$0x3FB3] =	sst s7  }
0x10: {  	[smem:$0x3FB4] =	sst s8  }
0x11: {  	[smem:$0x3FB5] =	sst s9;
	s0 =	simm.s32 @!p0 $0x0  }
0x12: {  	s1 =	sld [smem:$0x3F9B];
	s0 =	simm.s32 @p0 $0x1  }
0x13: {  	[smem:$0x3FB6] =	sst s0;
	s0 =	simm.s32 @!p1 $0x0  }
0x14: {  	s2 =	sld [smem:$0x3F9A];
	s0 =	simm.s32 @p1 $0x1  }
0x15: {  	[smem:$0x3FB7] =	sst s0;
	s0 =	simm.s32 @!p2 $0x0  }
0x16: {  	s3 =	sld [smem:$0x3FDB];
	s0 =	simm.s32 @p2 $0x1  }
0x17: {  	s4 =	simm.s32 $0x1BF5;
	[smem:$0x3FB9] =	sst s0  }
0x18: {  	s0 =	sld [smem:$0x3F9C];
	_ =	swait.ge [sflag:s4], $0x0  }
0x19: {  	s7 =	sld [smem:$0x3F9D]  }
0x1a: {  	s8 =	sadd.s32 $0xFFFFE003, lr  }
0x1b: {  	s9 =	sadd.s32 $0xFFFFFEF7, lr;
	s5 =	simm.s32 $0xFFFFFFFF;
	p2 =	slt.u32 s8, $0xFFFFF086  }
0x1c: {  	p1 =	slt.u32 s9, $0xF7A;
	s5 =	simm.s32 @!p2 $0x0  }
0x1d: {  	s5 =	simm.s32 @p1 $0x1;
	p0 =	seq.s32 s7, s2  }
0x1e: {  	s7 =	smul.u32 @!p0 $0xF7A, s2;
	p2 =	seq.s32 @!p0 s5, $0x0  }
0x1f: {  	s9 =	smul.u32 $0xF7A, s1;
	s8 =	simm.s32 @!p0 $0x1BF5;
	p2 =	por !p2, p0  }
0x20: {  	[sflag:s8] =	ssyncset.s32 @!p0 $0xFFFFF086;
	s6 =	sadd.s32 @!p0 s3, s7;
	s7 =	simm.s32 @!p0 $0x108  }
0x21: {  	s3 =	sadd.s32 s3, s9;
	s6 =	sadd.s32 @!p0 $0x88, s6;
	s7 =	simm.s32 @p2 $0x1082  }
0x22: {  	[simem:s7], [sflag:s8] =	dma.local @!p0 [hbm:s6], $0xF7A  }
0x23: {  	s9 =	sor.u32 $0xD0000000, s2;
	s6 =	simm.s32 $0x108;
	_ =	swait.ge @!p0 [sflag:s8], $0x0  }
0x24: {  	s3 =	sadd.s32 $0x88, s3;
	s6 =	simm.s32 @!p1 $0x1082;
	[sflag:s4] =	ssyncset.s32 $0xFFFFF086  }
0x25: {  	[simem:s6], [sflag:s4] =	dma.local [hbm:s3], $0xF7A  }
0x26: {  	[smem:$0x3F9D] =	sst s1;
	(tag) =	ssettag s2;
	_ =	strace s9  }
0x27: {  	s1 =	sld [smem:$0x3FAD]  }
0x28: {  	s2 =	sld [smem:$0x3FAE]  }
0x29: {  	s4 =	sld [smem:$0x3FB0]  }
0x2a: {  	p0 =	seq.s32 s5, $0x0;
	s5 =	sld [smem:$0x3FB1]  }
0x2b: {  	s6 =	sld [smem:$0x3FB2]  }
0x2c: {  	s7 =	sld [smem:$0x3FB3]  }
0x2d: {  	s3 =	simm.s32 $0x108;
	s8 =	sld [smem:$0x3FB4]  }
0x2e: {  	s3 =	simm.s32 @!p0 $0x1082;
	s9 =	sld [smem:$0x3FB5]  }
0x2f: {  	lr =	sadd.s32 s0, s3;
	s0 =	sld [smem:$0x3FAC]  }
0x30: {  	s3 =	sld [smem:$0x3FAF]  }
0x31: {  	[smem:$0x3FB8] =	sst s10  }
0x32: {  	s10 =	sld [smem:$0x3FB6];
	_ =	sdelay $0x3  }
0x33: {  	p0 =	seq.s32 s10, $0x1;
	s10 =	sld [smem:$0x3FB8];
	_ =	sdelay $0x3  }
0x34: {  	[smem:$0x3FB8] =	sst s10  }
0x35: {  	s10 =	sld [smem:$0x3FB7];
	_ =	sdelay $0x3  }
0x36: {  	p1 =	seq.s32 s10, $0x1;
	s10 =	sld [smem:$0x3FB8];
	_ =	sdelay $0x3  }
0x37: {  	[smem:$0x3FB8] =	sst s10  }
0x38: {  	s10 =	sld [smem:$0x3FB9]  }
0x39: {  	_ = 	snop;
	(pc) =	sbr.ind lr, $3  }
0x3a: {  	_ = 	snop  }
0x3b: {  	_ = 	snop  }
0x3c: {  	p2 =	seq.s32 s10, $0x1;
	s10 =	sld [smem:$0x3FB8]  }
0x3d: {  	_ =	shalt  }
0x3e: {  	_ =	shalt  }
0x3f: {  	_ =	shalt  }
0x40: {  	_ =	shalt  }
0x41: {  	_ =	shalt  }
0x42: {  	_ =	shalt  }
0x43: {  	_ =	shalt  }
0x44: {  	_ =	shalt  }
0x45: {  	_ =	shalt  }
0x46: {  	_ =	shalt  }
0x47: {  	_ =	shalt  }
0x48: {  	_ =	shalt  }
0x49: {  	_ =	shalt  }
0x4a: {  	_ =	shalt  }
0x4b: {  	_ =	shalt  }
0x4c: {  	_ =	shalt  }
0x4d: {  	_ =	shalt  }
0x4e: {  	_ =	shalt  }
0x4f: {  	_ =	shalt  }
0x50: {  	_ =	shalt  }
0x51: {  	_ =	shalt  }
0x52: {  	_ =	shalt  }
0x53: {  	_ =	shalt  }
0x54: {  	_ =	shalt  }
0x55: {  	_ =	shalt  }
0x56: {  	_ =	shalt  }
0x57: {  	_ =	shalt  }
0x58: {  	_ =	shalt  }
0x59: {  	_ =	shalt  }
0x5a: {  	_ =	shalt  }
0x5b: {  	_ =	shalt  }
0x5c: {  	_ =	shalt  }
0x5d: {  	_ =	shalt  }
0x5e: {  	_ =	shalt  }
0x5f: {  	_ =	shalt  }
0x60: {  	_ =	shalt  }
0x61: {  	_ =	shalt  }
0x62: {  	_ =	shalt  }
0x63: {  	_ =	shalt  }
0x64: {  	_ =	shalt  }
0x65: {  	_ =	shalt  }
0x66: {  	_ =	shalt  }
0x67: {  	_ =	shalt  }
0x68: {  	_ =	shalt  }
0x69: {  	_ =	shalt  }
0x6a: {  	_ =	shalt  }
0x6b: {  	_ =	shalt  }
0x6c: {  	_ =	shalt  }
0x6d: {  	_ =	shalt  }
0x6e: {  	_ =	shalt  }
0x6f: {  	_ =	shalt  }
0x70: {  	_ =	shalt  }
0x71: {  	_ =	shalt  }
0x72: {  	_ =	shalt  }
0x73: {  	_ =	shalt  }
0x74: {  	_ =	shalt  }
0x75: {  	_ =	shalt  }
0x76: {  	_ =	shalt  }
0x77: {  	_ =	shalt  }
0x78: {  	_ =	shalt  }
0x79: {  	_ =	shalt  }
0x7a: {  	_ =	shalt  }
0x7b: {  	_ =	shalt  }
0x7c: {  	_ =	shalt  }
0x7d: {  	_ =	shalt  }
0x7e: {  	_ =	shalt  }
0x7f: {  	_ =	shalt  }
0x80: {  	_ =	shalt  }
0x81: {  	_ =	shalt  }
0x82: {  	_ =	shalt  }
0x83: {  	_ =	shalt  }
0x84: {  	_ =	shalt  }
0x85: {  	_ =	shalt  }
0x86: {  	_ =	shalt  }
0x87: {  	_ =	shalt  }
.Lfunc_end0:
.L_simem_size_0:
called_computation_lowered:
.L_overlay_start_0:
0x88: {  	s0 =	sld [smem:$0x3FD9]  }
0x89: {  	s1 =	sld [smem:$0x3FFE];
	_ =	sdelay $0x3  }
0x8a: {  	s0 =	sadd.s32 s1, s0  }
0x8b: {  	[smem:$0x3FC4] =	sst s0  }
0x8c: {  	_ = 	snop  }
0x8d: {  	s0 =	sld [smem:$0x3FC7]  }
0x8e: {  	s16 =	sld [smem:$0x3FD0];
	(tm) =	ssettm $0x1  }
0x8f: {  	s2 =	sld [smem:$0x3FFB];
	_ =	sdelay $0x3  }
0x90: {  	_ =	strace s2  }
0x91: {  	s2 =	sld [smem:$0x3FFC];
	_ =	sdelay $0x3  }
0x92: {  	_ =	strace s2  }
0x93: {  	s2 =	sld [smem:$0x3FFD];
	_ =	sdelay $0x3  }
0x94: {  	_ =	strace s2  }
0x95: {  	_ =	strace $0x8FFFFFFF  }
0x96: {  	s17 =	sld [smem:$0x3FDB];
	_ =	sdelay $0x1  }
0x97: {  	s3 =	simm.s32 $_scs_section_size  }
0x98: {  	s4 =	simm.s32 $_size__tile_overlayer_lowered;
	s5 =	simm.s32 $_tile_overlayer_lowered  }
0x99: {  	s20 =	simm.s32 $0x1BFF;
	s19 =	sshll.u32 s5, $0x1;
	s2 =	sadd.s32 s3, s17  }
0x9a: {  	s6 =	simm.s32 $0x0;
	s18 =	sshll.u32 s4, $0x1;
	s4 =	sadd.s32 s19, s2  }
0x9b: {  	[timem:s6], [sflag:s20] =	dma.local [hbm:s4], s18  }
0x9c: {  	_ =	swait.ge [sflag:s20], s18  }
0x9d: {  	s3 =	ssub.s32 $0x0, s18;
	[sflag:s20] =	ssyncset.done $0x0  }
0x9e: {  	[sflag:s20] =	ssyncadd.s32 s3;
	_ =	sdelay $0x1  }
0x9f: {  	s21 =	simm.s32 $0x1B8B  }
0xa0: {  	_ =	swait.ge [sflag:s21], $0x1  }
0xa1: {  	[sflag:s21] =	ssyncset.done $0x0  }
0xa2: {  	s23 =	simm.s32 $0x1B8E;
	s22 =	sld [smem:$0x3FFE];
	[sflag:s21] =	ssyncadd.s32 $0xFFFFFFFF  }
0xa3: {  	s24 =	simm.s32 $execute0_lowered;
	[smem:$0x3FD2] =	sst s23  }
0xa4: {  	s4 =	sshll.u32 s24, $0x1;
	_ =	strace $0x80000046;
	[dreg:$0x1] =	wrdreg $0xFFFFFFFF  }
0xa5: {  	s25 =	simm.s32 $_size_execute0_lowered;
	s2 =	sadd.s32 s2, s4;
	[dreg:$0x0] =	wrdreg $0x0  }
0xa6: {  	s4 =	sshll.u32 s25, $0x1;
	[dreg:$0x2] =	wrdreg s2  }
0xa7: {  	[dreg:$0x3] =	wrdreg s4  }
0xa8: {  	[dreg:$0x4] =	wrdreg $0xC0  }
0xa9: {  	_ =	task [dreg:s6], $0x5FFFF  }
0xaa: {  	[dreg:$0x1] =	wrdreg $0xFFFFFFFF  }
0xab: {  	[dreg:$0x0] =	wrdreg $0x60  }
0xac: {  	[dreg:$0x2] =	wrdreg s16  }
0xad: {  	[dreg:$0x3] =	wrdreg s22  }
0xae: {  	[dreg:$0x4] =	wrdreg s0  }
0xaf: {  	[dreg:$0x5] =	wrdreg $0x9  }
0xb0: {  	_ =	task.clear_ibuf [dreg:s6], $0x6FFFF;
	_ =	strace $0x90000046  }
0xb1: {  	s26 =	simm.s32 $0x9;
	_ =	strace $0x80000048  }
0xb2: {  	_ =	swait.ge [sflag:s26], $0x1  }
0xb3: {  	[sflag:s26] =	ssyncadd.s32 $0xFFFFFFFF  }
0xb4: {  	_ =	strace $0x90000048  }
0xb5: {  	_ =	sfence  }
0xb6: {  	s28 =	sld [smem:$0x0];
	_ =	sdelay $0x1  }
0xb7: {  	s29 =	srdreg.scid  }
0xb8: {  	s30 =	sshll.u32 s29, $0xD;
	s31 =	sshrl.u32 s29, $0x2  }
0xb9: {  	s1 =	sand.u32 $0x1, s29;
	s2 =	sand.u32 $0x4000, s30;
	s0 =	sadd.s32 s31, s28  }
0xba: {  	s1 =	sor.u32 s2, s1;
	s0 =	sshll.u32 s0, $0x11  }
0xbb: {  	s0 =	sor.u32 s0, s1  }
0xbc: {  	s0 =	sadd.s32 $0x8F2B, s0  }
0xbd: {  	[sflag:s0] =	ssyncadd.remote.s32 $0x1  }
0xbe: {  	_ =	sfence.sel $0xFFFF  }
0xbf: {  	[dreg:$0x0] =	wrdreg $0xFFFFFFFF;
	(pc) =	sbr.abs _section_cstart, $3  }
0xc0: {  	[dreg:$0x1] =	wrdreg $0xFFFFFFFF  }
0xc1: {  	_ =	task.clear_ibuf [dreg:s6], $0x2FFFF;
	_ =	strace $0x9FFFFFFF  }
0xc2: {  	(tm) =	ssettm $0x7FFFFFFF  }
0xc3: {  	_ =	shalt  }
tec
execute0_lowered:
.L_overlay_start_1:
0x0: {  	(tag) =	ssettag $0x1  }
0x1: {  	s4 =	stileid.u32  }
0x2: {  	p0 =	sne.s32 s4, $0x0  }
.Ltmp0:
0x3: {  	_ = 	snop;
	(pc) =	sbr.rel @p0 .LBB2_4-.Ltmp0, $4  }
0x4: {  	s3 =	rddreg [dreg:$0x0]  }
0x5: {  	s1 =	rddreg [dreg:$0x1]  }
0x6: {  	s2 =	rddreg [dreg:$0x2]  }
0x7: {  	s0 =	rddreg [dreg:$0x3];
	_ =	strace $0x80000047  }
0x8: {  	s4 =	simm.s32 $0x0  }
0x9: {  	[tilespmem:s4], [sflag:$0x2] =	stream.linear.gather [hbm4b:s3+s4], $0x180, $0x38;
	[tilespmem:$0x480] =	vst v63  }
0xa: {  	s25 =	sadd.s32 $0x800, s1;
	s5 =	simm.s32 $0x180  }
0xb: {  	[tilespmem:s5], [sflag:$0x1] =	stream.linear.gather [hbm4b:s25+s4], $0x80, $0x38;
	[tilespmem:$0x480] =	vst v63  }
0xc: {  	s26 =	sadd.s32 $0xA00, s1;
	s28 =	simm.s32 $0x200  }
0xd: {  	[tilespmem:s28], [sflag:$0x1] =	stream.linear.gather [hbm4b:s26+s4], $0x80, $0x38;
	[tilespmem:$0x480] =	vst v63  }
0xe: {  	s29 =	simm.s32 $0x280;
	s30 =	simm.s32 $0x1  }
0xf: {  	[tilespmem:s29], [sflag:$0x1] =	stream.linear.gather [hbm4b:s2+s4], $0x8, $0x38;
	[tilespmem:$0x480] =	vst v63  }
0x10: {  	_ =	swait.ge [sflag:s30], $0x80  }
0x11: {  	[sflag:s30] =	ssyncset.done $0x0  }
0x12: {  	[sflag:s30] =	ssyncadd.s32 $0xFFFFFF80  }
0x13: {  	_ =	swait.ge [sflag:s30], $0x80  }
0x14: {  	[sflag:s30] =	ssyncset.done $0x0  }
0x15: {  	[sflag:s30] =	ssyncadd.s32 $0xFFFFFF80  }
0x16: {  	_ =	swait.ge [sflag:s30], $0x8  }
0x17: {  	[sflag:s30] =	ssyncset.done $0x0  }
0x18: {  	[sflag:s30] =	ssyncadd.s32 $0xFFFFFFF8  }
0x19: {  	v4 =	vld [tilespmem:$0x180]  }
0x1a: {  	v8 =	vimm.s32 $0x80000000;
	v17 =	vld [tilespmem:$0x1A0]  }
0x1b: {  	vm0 =	vcmask $0x1714;
	vm7 =	vcmask $0x3734;
	vm8 =	vcmask $0xF0C;
	v19 =	vld [tilespmem:$0x1B0]  }
0x1c: {  	vm9 =	vcmask $0x2F2C;
	vm1 =	vcmask $0x704;
	vm10 =	vcmask $0x2724;
	v0 =	vld [tilespmem:$0x200]  }
0x1d: {  	v13 =	vimm.s32 $0xA20000;
	v14 =	vimm.s32 $0xA200;
	v29 =	vimm.s32 $0xC40000;
	v1 =	vld [tilespmem:$0x220]  }
0x1e: {  	v33 =	vimm.s32 $0xC400;
	v40 =	vimm.s32 $0xD50000;
	v58 =	vimm.s32 $0xD500  }
0x1f: {  	v51 =	vimm.s32 $0xE6000000;
	v62 =	vimm.s32 $0xE60000;
	v3 =	vld [tilespmem:$0x230];
	v2 =	vmul.f32 $2.857142870e-02, v4  }
0x20: {  	v63 =	vimm.s32 $0xB3;
	v29 =	vunpack.c.l.s4.s8 v29;
	v6 =	vmul.f32 $2.857142870e-02, v17  }
0x21: {  	v33 =	vunpack.c.l.s4.s8 v33;
	v10 =	vld [tilespmem:$0x190];
	v7 =	vsub.f32 v0, v2;
	v0 =	vunpack.c.l.s4.s8 v8  }
0x22: {  	v40 =	vunpack.c.l.s4.s8 v40;
	v25 =	vsub.f32 v1, v6;
	v1 =	vmul.f32 $2.857142870e-02, v19  }
0x23: {  	v50 =	vunpack.c.l.s4.s8 v58;
	v51 =	vunpack.c.l.s4.s8 v51;
	v5 =	vld [tilespmem:$0x210];
	v0 =	vunpack.c.0.s8.s32 v0  }
0x24: {  	v58 =	vimm.s32 $0xE600;
	v63 =	vunpack.c.l.s4.s8 v63;
	v31 =	vsub.f32 v3, v1  }
0x25: {  	v29 =	vunpack.c.0.s8.s32 v29;
	v2 =	vimm.s32 $0x0;
	v27 =	vand.u32 $0xF, v0  }
0x26: {  	v8 =	vmul.f32 $2.857142870e-02, v10;
	v1 =	vsel vm0, $0x8, v2;
	v0 =	vperm.xlane v31, v27  }
0x27: {  	v33 =	vunpack.c.0.s8.s32 v33;
	v40 =	vunpack.c.0.s8.s32 v40;
	v28 =	vsel vm7, $0x8, v1  }
0x28: {  	v30 =	vsub.f32 v5, v8;
	v1 =	vimm.s32 $0x91000000;
	[tilespmem:$0x1FFA0] =	vst v0;
	v0 =	vperm.xlane v25, v28  }
0x29: {  	v3 =	vimm.s32 $0x910000;
	v8 =	vsel vm1, $0x8, v2;
	v1 =	vunpack.c.l.s4.s8 v1  }
0x2a: {  	v3 =	vunpack.c.l.s4.s8 v3;
	v15 =	vsel vm10, $0x8, v8;
	[tilespmem:$0x1FFB0] =	vst v0;
	v0 =	vsel vm8, $0x8, v2  }
0x2b: {  	v23 =	vsel vm9, $0x8, v0;
	v0 =	vunpack.c.0.s8.s32 v1;
	v1 =	vperm.xlane v7, v15  }
0x2c: {  	v59 =	vunpack.c.0.s8.s32 v50;
	v61 =	vunpack.c.0.s8.s32 v51;
	v51 =	vunpack.c.l.s4.s8 v62  }
0x2d: {  	[tilespmem:$0x1FFC0] =	vst v1;
	v1 =	vunpack.c.0.s8.s32 v3;
	v36 =	vand.u32 $0xF, v0;
	v0 =	vimm.s32 $0x9100  }
0x2e: {  	v47 =	vand.u32 $0xF, v29;
	v3 =	vimm.s32 $0x91;
	v0 =	vunpack.c.l.s4.s8 v0  }
0x2f: {  	v49 =	vand.u32 $0xF, v33;
	v37 =	vand.u32 $0xF, v1;
	v1 =	vunpack.c.l.s4.s8 v3  }
0x30: {  	v54 =	vand.u32 $0xF, v40;
	v3 =	vimm.s32 $0xA2000000;
	v0 =	vunpack.c.0.s8.s32 v0  }
0x31: {  	v56 =	vand.u32 $0xF, v59;
	v3 =	vunpack.c.l.s4.s8 v3;
	v1 =	vunpack.c.0.s8.s32 v1  }
0x32: {  	v32 =	vand.u32 $0xF, v0;
	v0 =	vunpack.c.l.s4.s8 v13;
	v13 =	vunpack.c.l.s4.s8 v14  }
0x33: {  	v57 =	vand.u32 $0xF, v61;
	v22 =	vand.u32 $0xF, v1;
	v1 =	vunpack.c.0.s8.s32 v3  }
0x34: {  	v51 =	vunpack.c.0.s8.s32 v51;
	v3 =	vunpack.c.0.s8.s32 v13;
	v13 =	vimm.s32 $0xA2  }
0x35: {  	s31 =	simm.s32 $0x2;
	v41 =	vand.u32 $0xF, v1;
	v1 =	vunpack.c.l.s4.s8 v13;
	v13 =	vimm.s32 $0xB300  }
0x36: {  	v50 =	vand.u32 $0xF, v51;
	v29 =	vperm.xlane v25, v47;
	v26 =	vunpack.c.l.s4.s8 v13;
	v13 =	vld [tilespmem:$0x280];
	_ =	swait.ge [sflag:s31], $0x180  }
0x37: {  	v59 =	vimm.s32 $0xF7000000;
	v62 =	vperm.xlane v25, v50;
	v47 =	vperm.xlane v17, v47;
	[sflag:s31] =	ssyncset.done $0x0  }
0x38: {  	v61 =	vimm.s32 $0xF700;
	v50 =	vperm.xlane v17, v50;
	v33 =	vperm.xlane v30, v49;
	[sflag:s31] =	ssyncadd.s32 $0xFFFFFE80  }
0x39: {  	v51 =	vunpack.c.l.s4.s8 v58;
	v40 =	vperm.xlane v31, v57;
	v57 =	vperm.xlane v19, v57;
	v34 =	vld [tilespmem:$0x0]  }
0x3a: {  	v58 =	vunpack.c.l.s4.s8 v59;
	v49 =	vperm.xlane v10, v49;
	v27 =	vperm.xlane v19, v27;
	v35 =	vld [tilespmem:$0x10]  }
0x3b: {  	v51 =	vunpack.c.0.s8.s32 v51;
	v28 =	vperm.xlane v17, v28;
	v8 =	vperm.xlane v30, v23  }
0x3c: {  	v58 =	vunpack.c.0.s8.s32 v58;
	v23 =	vperm.xlane v10, v23;
	v6 =	vperm.xlane v31, v36;
	v48 =	vld [tilespmem:$0x20]  }
0x3d: {  	v51 =	vand.u32 $0xF, v51;
	v36 =	vperm.xlane v19, v36;
	v12 =	vperm.xlane v25, v37  }
0x3e: {  	v37 =	vperm.xlane v17, v37;
	v14 =	vperm.xlane v30, v32;
	v0 =	vunpack.c.0.s8.s32 v0;
	v52 =	vld [tilespmem:$0x30]  }
0x3f: {  	v32 =	vperm.xlane v10, v32;
	v18 =	vperm.xlane v31, v41;
	v34 =	vadd.f32 v35, v34  }
0x40: {  	v42 =	vand.u32 $0xF, v0;
	v38 =	vand.u32 $0xF, v3;
	v3 =	vimm.s32 $0xB30000;
	v60 =	vld [tilespmem:$0x40]  }
0x41: {  	v0 =	vunpack.c.0.s8.s32 v1;
	v1 =	vimm.s32 $0xB3000000;
	v48 =	vadd.f32 v48, v34  }
0x42: {  	v41 =	vperm.xlane v19, v41;
	v3 =	vunpack.c.l.s4.s8 v3;
	v1 =	vunpack.c.l.s4.s8 v1;
	v55 =	vld [tilespmem:$0x50]  }
0x43: {  	v21 =	vperm.xlane v25, v42;
	v11 =	vperm.xlane v30, v38;
	v48 =	vadd.f32 v52, v48  }
0x44: {  	v24 =	vand.u32 $0xF, v0;
	v0 =	vunpack.c.0.s8.s32 v1;
	v1 =	vunpack.c.0.s8.s32 v3;
	v52 =	vld [tilespmem:$0x60]  }
0x45: {  	v3 =	vunpack.c.0.s8.s32 v26;
	v26 =	vimm.s32 $0xC4000000;
	v48 =	vadd.f32 v60, v48  }
0x46: {  	v42 =	vperm.xlane v17, v42;
	v38 =	vperm.xlane v10, v38;
	v59 =	vld [tilespmem:$0x70];
	v26 =	vunpack.c.l.s4.s8 v26  }
0x47: {  	v43 =	vand.u32 $0xF, v0;
	v60 =	vimm.s32 $0xF70000;
	v48 =	vadd.f32 v55, v48  }
0x48: {  	v26 =	vunpack.c.0.s8.s32 v26;
	v55 =	vunpack.c.l.s4.s8 v60;
	v60 =	vunpack.c.l.s4.s8 v61;
	v61 =	vld [tilespmem:$0x80]  }
0x49: {  	v44 =	vand.u32 $0xF, v1;
	v0 =	vperm.xlane v31, v43;
	v48 =	vadd.f32 v52, v48  }
0x4a: {  	v43 =	vperm.xlane v19, v43;
	v46 =	vand.u32 $0xF, v26;
	v26 =	vimm.s32 $0xD5000000  }
0x4b: {  	v35 =	vperm.xlane v25, v54;
	v39 =	vunpack.c.l.s4.s8 v26;
	v48 =	vadd.f32 v59, v48;
	v59 =	vld [tilespmem:$0x90]  }
0x4c: {  	v58 =	vand.u32 $0xF, v58;
	v54 =	vperm.xlane v17, v54;
	[tilespmem:$0x1FFD0] =	vst v0;
	v0 =	vperm.xlane v25, v44  }
0x4d: {  	v44 =	vperm.xlane v17, v44;
	v39 =	vunpack.c.0.s8.s32 v39;
	v48 =	vadd.f32 v61, v48;
	v61 =	vld [tilespmem:$0xA0]  }
0x4e: {  	v45 =	vand.u32 $0xF, v3;
	v26 =	vperm.xlane v31, v46;
	v46 =	vperm.xlane v19, v46  }
0x4f: {  	[tilespmem:$0x1FFE0] =	vst v0;
	v0 =	vperm.xlane v30, v45;
	v45 =	vperm.xlane v10, v45;
	v53 =	vand.u32 $0xF, v39  }
0x50: {  	v39 =	vperm.xlane v30, v56;
	v56 =	vperm.xlane v10, v56;
	v48 =	vadd.f32 v59, v48;
	v59 =	vld [tilespmem:$0xB0]  }
0x51: {  	v34 =	vperm.xlane v31, v53;
	v31 =	vperm.xlane v31, v58;
	v52 =	vunpack.c.0.s8.s32 v55  }
0x52: {  	v53 =	vperm.xlane v19, v53;
	v58 =	vperm.xlane v19, v58;
	v19 =	vadd.f32 v61, v48;
	v48 =	vld [tilespmem:$0xC0]  }
0x53: {  	v55 =	vunpack.c.0.s8.s32 v60;
	v60 =	vperm.xlane v30, v51;
	v52 =	vand.u32 $0xF, v52  }
0x54: {  	v63 =	vunpack.c.0.s8.s32 v63;
	v25 =	vperm.xlane v25, v52;
	v17 =	vperm.xlane v17, v52;
	v52 =	vld [tilespmem:$0xD0]  }
0x55: {  	v51 =	vperm.xlane v10, v51;
	v55 =	vand.u32 $0xF, v55;
	v19 =	vadd.f32 v59, v19  }
0x56: {  	v63 =	vand.u32 $0xF, v63;
	v30 =	vperm.xlane v30, v55;
	v55 =	vperm.xlane v10, v55  }
0x57: {  	v10 =	vimm.s32 $0xE6;
	v61 =	vimm.s32 $0xC4;
	v19 =	vadd.f32 v48, v19;
	v48 =	vld [tilespmem:$0xE0]  }
0x58: {  	v10 =	vunpack.c.l.s4.s8 v10;
	v61 =	vunpack.c.l.s4.s8 v61;
	v59 =	vimm.s32 $0xD5  }
0x59: {  	v59 =	vunpack.c.l.s4.s8 v59;
	v19 =	vadd.f32 v52, v19;
	v52 =	vimm.s32 $0xF7  }
0x5a: {  	v20 =	vperm.xlane v7, v63;
	v61 =	vunpack.c.0.s8.s32 v61;
	v52 =	vunpack.c.l.s4.s8 v52  }
0x5b: {  	v16 =	vperm.xlane v7, v22;
	v2 =	vld [tilespmem:$0xF0];
	v10 =	vunpack.c.0.s8.s32 v10;
	v59 =	vunpack.c.0.s8.s32 v59  }
0x5c: {  	v61 =	vand.u32 $0xF, v61;
	v48 =	vadd.f32 v48, v19;
	v19 =	vunpack.c.0.s8.s32 v52  }
0x5d: {  	v5 =	vperm.xlane v7, v24;
	v1 =	vld [tilespmem:$0x100];
	v3 =	vperm.xlane v7, v61;
	v59 =	vand.u32 $0xF, v59  }
0x5e: {  	[tilespmem:$0x1FFF0] =	vst v0;
	v9 =	vperm.xlane v7, v59;
	v52 =	vand.u32 $0xF, v10;
	v0 =	vand.u32 $0xF, v19  }
0x5f: {  	v19 =	vperm.xlane v7, v52;
	v10 =	vperm.xlane v7, v0;
	v7 =	vld [tilespmem:$0x110]  }
0x60: {  	v63 =	vperm.xlane v4, v63;
	v15 =	vperm.xlane v4, v15;
	v2 =	vadd.f32 v2, v48  }
0x61: {  	v22 =	vperm.xlane v4, v22;
	v24 =	vperm.xlane v4, v24  }
0x62: {  	v59 =	vperm.xlane v4, v59;
	v52 =	vperm.xlane v4, v52;
	v1 =	vadd.f32 v1, v2  }
0x63: {  	v0 =	vperm.xlane v4, v0;
	v2 =	vperm.xlane v4, v61;
	v4 =	vld [tilespmem:$0x1FFA0]  }
0x64: {  	v1 =	vadd.f32 v7, v1;
	v7 =	vld [tilespmem:$0x1FFB0];
	_ =	sdelay $0x2  }
0x65: {  	vm11 =	vcmask $0x3F38;
	vm12 =	vcmask $0x1F18  }
0x66: {  	vm2 =	vmor vm12, vm11  }
0x67: {  	v4 =	vsel vm2, v4, v7;
	v7 =	vsel vm2, v6, v12;
	v6 =	vld [tilespmem:$0x1FFC0];
	_ =	sdelay $0x1  }
0x68: {  	vm13 =	vcmask $0x3F30;
	vm14 =	vcmask $0x1F10;
	vm15 =	vcmask $0x2720  }
0x69: {  	vm3 =	vcmask $0x700;
	vm1 =	vmor vm14, vm13;
	v17 =	vsel vm2, v58, v17  }
0x6a: {  	vm0 =	vmor vm3, vm15;
	v17 =	vsel vm1, v17, v55;
	v4 =	vsel vm1, v4, v8  }
0x6b: {  	v6 =	vsel vm0, v6, v4;
	v4 =	vsel vm1, v7, v14;
	v7 =	vsel vm2, v18, v21  }
0x6c: {  	v8 =	vsel vm0, v16, v4;
	v4 =	vsel vm1, v7, v11;
	v11 =	vsel vm2, v26, v29  }
0x6d: {  	v7 =	vsel vm0, v5, v4;
	v4 =	vsel vm1, v11, v33;
	v11 =	vlaneseq.u32  }
0x6e: {  	v0 =	vsel vm0, v0, v17;
	v5 =	vor.u32 $0x8, v11  }
0x6f: {  	v17 =	vimm.s32 $0x7;
	v21 =	vsel vm2, v46, v47;
	v14 =	vperm.xlane v1, v5  }
0x70: {  	v12 =	vsel vm2, v40, v62;
	v18 =	vimm.s32 $0x0;
	v21 =	vsel vm1, v21, v49  }
0x71: {  	v2 =	vsel vm0, v2, v21;
	v21 =	vsel vm2, v53, v54;
	v1 =	vadd.f32 v14, v1  }
0x72: {  	v4 =	vsel vm0, v3, v4;
	v3 =	vsel vm2, v34, v35;
	v16 =	vand.u32 $0x7, v11  }
0x73: {  	v21 =	vsel vm1, v21, v56;
	v3 =	vsel vm1, v3, v39;
	v1 =	vperm.xlane v1, v16  }
0x74: {  	v5 =	vsel vm0, v9, v3;
	v3 =	vsel vm1, v12, v60;
	v12 =	vsel vm2, v27, v28  }
0x75: {  	v13 =	vperm.xlane v13, v16;
	v12 =	vsel vm1, v12, v23;
	v18 =	vperm.xlane v1, v18  }
0x76: {  	v21 =	vsel vm0, v59, v21;
	v14 =	vsel vm2, v36, v37;
	v12 =	vsel vm0, v15, v12  }
0x77: {  	v14 =	vsel vm1, v14, v32;
	v12 =	vmul.f32 v18, v12;
	v18 =	vimm.s32 $0x1  }
0x78: {  	v15 =	vsel vm2, v41, v42;
	v14 =	vsel vm0, v22, v14;
	v18 =	vperm.xlane v1, v18  }
0x79: {  	v15 =	vsel vm1, v15, v38;
	v22 =	vimm.s32 $0x2;
	v12 =	vmul.f32 $2.857142870e-02, v12  }
0x7a: {  	v16 =	vsel vm2, v43, v44;
	v14 =	vmul.f32 v18, v14;
	v18 =	vperm.xlane v1, v22  }
0x7b: {  	v15 =	vsel vm0, v24, v15;
	v16 =	vsel vm1, v16, v45;
	v12 =	vadd.f32 v12, v13  }
0x7c: {  	v13 =	vmul.f32 $2.857142870e-02, v14;
	v14 =	vmul.f32 v18, v15;
	v15 =	vimm.s32 $0x3  }
0x7d: {  	v9 =	vsel vm2, v31, v25;
	v16 =	vsel vm0, v63, v16;
	v15 =	vperm.xlane v1, v15  }
0x7e: {  	v12 =	vadd.f32 v13, v12;
	v13 =	vmul.f32 $2.857142870e-02, v14;
	v14 =	vimm.s32 $0x4  }
0x7f: {  	v22 =	vsel vm2, v57, v50;
	v15 =	vmul.f32 v15, v16;
	v14 =	vperm.xlane v1, v14  }
0x80: {  	v9 =	vsel vm1, v9, v30;
	v18 =	vsel vm1, v22, v51;
	v12 =	vadd.f32 v13, v12  }
0x81: {  	v13 =	vmul.f32 $2.857142870e-02, v15;
	v2 =	vmul.f32 v14, v2;
	v14 =	vimm.s32 $0x5  }
0x82: {  	s2 =	simm.s32 $0x0;
	v16 =	vsel vm0, v52, v18;
	v15 =	vimm.s32 $0x6;
	v14 =	vperm.xlane v1, v14  }
0x83: {  	v22 =	vld [tilespmem:s2+$0x0];
	v12 =	vadd.f32 v13, v12;
	v13 =	vperm.xlane v1, v15;
	v1 =	vperm.xlane v1, v17  }
0x84: {  	v15 =	vmul.f32 $2.857142870e-02, v2;
	v2 =	vshrl.u32 v11, $0x3;
	v14 =	vmul.f32 v14, v21  }
0x85: {  	v11 =	vmul.u32 $0x8, v2;
	v2 =	vsel vm0, v10, v9;
	v13 =	vmul.f32 v13, v16  }
0x86: {  	v0 =	vmul.f32 v1, v0;
	v1 =	vadd.f32 v15, v12;
	v10 =	vmul.f32 $2.857142870e-02, v14  }
0x87: {  	s3 =	simm.s32 $0x10;
	v16 =	vor.u32 $0x1, v11;
	v17 =	vor.u32 $0x2, v11;
	v18 =	vor.u32 $0x4, v11  }
0x88: {  	s4 =	simm.s32 $0x20;
	v27 =	vld [tilespmem:s3+$0x0];
	v12 =	vperm.xlane v22, v11;
	v15 =	vor.u32 $0x3, v11;
	v14 =	vperm.xlane v22, v16  }
0x89: {  	v31 =	vld [tilespmem:s4+$0x0];
	v9 =	vor.u32 $0x7, v11;
	v21 =	vmul.f32 $2.857142870e-02, v13;
	v0 =	vmul.f32 $2.857142870e-02, v0  }
0x8a: {  	v23 =	vperm.xlane v22, v18;
	v28 =	vmul.f32 v14, v8;
	v14 =	vor.u32 $0x6, v11  }
0x8b: {  	v24 =	vperm.xlane v22, v17;
	v1 =	vadd.f32 v10, v1;
	v10 =	vperm.xlane v22, v14  }
0x8c: {  	v25 =	vperm.xlane v22, v15;
	v29 =	vmul.f32 v12, v6;
	v12 =	vsel vm0, v19, v3;
	v3 =	vld [tilespmem:$0x1FFD0]  }
0x8d: {  	v26 =	vperm.xlane v22, v9;
	v54 =	vmul.f32 v10, v12;
	v10 =	vld [tilespmem:$0x1FFE0]  }
0x8e: {  	v13 =	vor.u32 $0x5, v11;
	v55 =	vperm.xlane v27, v15;
	v59 =	vperm.xlane v31, v9  }
0x8f: {  	v19 =	vperm.xlane v27, v11;
	v61 =	vperm.xlane v31, v13  }
0x90: {  	v24 =	vmul.f32 v24, v7;
	v30 =	vmul.f32 v26, v2;
	v26 =	vld [tilespmem:$0x1FFF0];
	v1 =	vadd.f32 v21, v1  }
0x91: {  	v23 =	vmul.f32 v23, v4;
	v22 =	vperm.xlane v22, v13  }
0x92: {  	v21 =	vperm.xlane v27, v18;
	v10 =	vsel vm2, v3, v10;
	v3 =	vadd.f32 v0, v1  }
0x93: {  	v58 =	vmul.f32 v19, v6;
	v0 =	vperm.xlane v27, v16  }
0x94: {  	v22 =	vmul.f32 v22, v5;
	v1 =	vperm.xlane v27, v17;
	v29 =	vadd.f32 v29, v3  }
0x95: {  	v10 =	vsel vm1, v10, v26;
	v26 =	vperm.xlane v27, v9;
	v56 =	vmul.f32 v0, v8  }
0x96: {  	v57 =	vmul.f32 v1, v7;
	v1 =	vperm.xlane v27, v14;
	v19 =	vadd.f32 v28, v29  }
0x97: {  	v10 =	vsel vm0, v20, v10;
	v27 =	vperm.xlane v27, v13;
	v20 =	vmul.f32 v21, v4  }
0x98: {  	v0 =	vmul.f32 v26, v2;
	v21 =	vmul.f32 v25, v10;
	v24 =	vadd.f32 v24, v19  }
0x99: {  	v25 =	vadd.f32 v58, v3;
	v26 =	vperm.xlane v31, v11;
	v63 =	vmul.f32 v55, v10  }
0x9a: {  	v1 =	vmul.f32 v1, v12;
	v28 =	vperm.xlane v31, v18;
	v24 =	vadd.f32 v21, v24  }
0x9b: {  	s5 =	simm.s32 $0x30;
	v29 =	vperm.xlane v31, v17;
	v34 =	vadd.f32 v56, v25;
	v26 =	vmul.f32 v26, v6  }
0x9c: {  	v19 =	vmul.f32 v27, v5;
	v27 =	vperm.xlane v31, v16;
	v60 =	vadd.f32 v23, v24;
	v24 =	vld [tilespmem:s5+$0x0]  }
0x9d: {  	v25 =	vmul.f32 v29, v7;
	v29 =	vperm.xlane v31, v14;
	v34 =	vadd.f32 v57, v34  }
0x9e: {  	v21 =	vperm.xlane v31, v15;
	v27 =	vmul.f32 v27, v8;
	v62 =	vadd.f32 v22, v60  }
0x9f: {  	v31 =	vadd.f32 v26, v3;
	v26 =	vmul.f32 v28, v4;
	v29 =	vmul.f32 v29, v12  }
0xa0: {  	v23 =	vmul.f32 v59, v2;
	v22 =	vmul.f32 v61, v5;
	v36 =	vadd.f32 v54, v62  }
0xa1: {  	v32 =	vadd.f32 v63, v34;
	v33 =	vperm.xlane v24, v11;
	v28 =	vperm.xlane v24, v18  }
0xa2: {  	s1 =	sadd.s32 $0xC00, s1;
	s6 =	simm.s32 $0x100;
	v35 =	vperm.xlane v24, v16;
	v34 =	vperm.xlane v24, v17;
	v30 =	vadd.f32 v30, v36  }
.LBB2_2:
0xa3: {  	v36 =	vperm.xlane v24, v15  }
0xa4: {  	s7 =	sshra.s32 s6, $0x2;
	p1 =	sne.s32 s6, $0x440;
	s6 =	sadd.s32 $0x40, s6;
	v37 =	vperm.xlane v24, v9;
	v31 =	vadd.f32 v27, v31;
	v38 =	vmovc v23;
	v39 =	vmovc v1;
	v1 =	vmov v29  }
0xa5: {  	v32 =	vadd.f32 v20, v32;
	v40 =	vld [tilespmem:s7+$0x0];
	v27 =	vmul.f32 v35, v8;
	v29 =	vmul.f32 v34, v7;
	[tilespmem:s2+$0x300] =	vst v30;
	s2 =	smov.u32 s3;
	s3 =	smov.u32 s4;
	s4 =	smov.u32 s5  }
0xa6: {  	v20 =	vmovc v26;
	v30 =	vmul.f32 v33, v6;
	v33 =	vperm.xlane v24, v14;
	s5 =	smov.u32 s7;
	v34 =	vadd.f32 v25, v31  }
.Ltmp1:
0xa7: {  	v35 =	vperm.xlane v24, v13;
	v23 =	vmul.f32 v37, v2;
	v32 =	vadd.f32 v19, v32;
	v25 =	vmovc v29;
	(pc) =	sbr.rel @p1 .LBB2_2-.Ltmp1, $4  }
0xa8: {  	v26 =	vmul.f32 v28, v4;
	v31 =	vadd.f32 v30, v3;
	v30 =	vmul.f32 v21, v10;
	v21 =	vmovc v36  }
0xa9: {  	v19 =	vmovc v22;
	v29 =	vmul.f32 v33, v12;
	v22 =	vmul.f32 v35, v5;
	v36 =	vadd.f32 v39, v32  }
0xaa: {  	v32 =	vadd.f32 v30, v34;
	v33 =	vperm.xlane v40, v11;
	v28 =	vperm.xlane v40, v18;
	v24 =	vmovc v40  }
0xab: {  	v30 =	vadd.f32 v0, v36;
	v0 =	vmovc v38;
	v35 =	vperm.xlane v24, v16;
	v34 =	vperm.xlane v24, v17  }
0xac: {  	v6 =	vmul.f32 v33, v6;
	_ =	sdelay $0x1  }
0xad: {  	v8 =	vmul.f32 v35, v8;
	v3 =	vadd.f32 v6, v3  }
0xae: {  	v53 =	vadd.f32 v27, v31  }
0xaf: {  	v11 =	vperm.xlane v24, v15;
	v7 =	vmul.f32 v34, v7;
	v3 =	vadd.f32 v8, v3  }
0xb0: {  	v54 =	vmul.f32 v21, v10;
	v6 =	vadd.f32 v25, v53  }
0xb1: {  	v55 =	vmul.f32 v11, v10;
	v3 =	vadd.f32 v7, v3  }
0xb2: {  	v56 =	vadd.f32 v20, v32;
	v6 =	vadd.f32 v54, v6  }
0xb3: {  	v57 =	vperm.xlane v24, v13;
	v4 =	vmul.f32 v28, v4;
	v3 =	vadd.f32 v55, v3  }
0xb4: {  	v58 =	vperm.xlane v24, v14;
	v6 =	vadd.f32 v26, v6  }
0xb5: {  	v10 =	vadd.f32 v19, v56;
	v5 =	vmul.f32 v57, v5;
	v3 =	vadd.f32 v4, v3  }
0xb6: {  	v59 =	vperm.xlane v24, v9;
	v6 =	vadd.f32 v22, v6  }
0xb7: {  	v1 =	vadd.f32 v1, v10;
	v7 =	vmul.f32 v58, v12;
	v3 =	vadd.f32 v5, v3  }
0xb8: {  	v60 =	vadd.f32 v29, v6  }
0xb9: {  	v2 =	vmul.f32 v59, v2;
	v0 =	vadd.f32 v0, v1;
	v61 =	vadd.f32 v7, v3  }
0xba: {  	[tilespmem:s2+$0x300] =	vst v30;
	v62 =	vadd.f32 v23, v60  }
0xbb: {  	[tilespmem:s3+$0x300] =	vst v0;
	v63 =	vadd.f32 v2, v61  }
0xbc: {  	[tilespmem:s4+$0x300] =	vst v62  }
0xbd: {  	s29 =	simm.s32 $0x0;
	s30 =	simm.s32 $0x300;
	s31 =	simm.s32 $0x3;
	[tilespmem:s5+$0x300] =	vst v63  }
0xbe: {  	[hbm4b:s1+s29] =	stream.linear.scatter [tilespmem:s30], [sflag:$0x3], $0x180, $0x38;
	[tilespmem:$0x480] =	vst v63  }
0xbf: {  	_ =	swait.ge [sflag:s31], $0x180  }
0xc0: {  	[sflag:s31] =	ssyncset.done $0x0  }
0xc1: {  	[sflag:s31] =	ssyncadd.s32 $0xFFFFFE80  }
.LBB2_4:
0xc2: {  	_ =	sfence.sel $0x180000  }
0xc3: {  	[bflag:$0x0] =	sbarrier.arrive $0xFFFF  }
0xc4: {  	_ =	strace $0x90000047  }
0xc5: {  	s0 =	sadd.s32 @!p0 $0x100000, s0;
	[bflag:$0x2] =	sbarrier.arrive $0xFFFF  }
0xc6: {  	[sflag:s0] =	ssyncadd.tile.s32 @!p0 $0x1;
	_ =	shalt  }
.Lfunc_end2:
_tile_overlayer_lowered:
.L_overlay_start_2:
0xc7: {  	(tag) =	ssettag $0x2  }
0xc8: {  	s0 =	rddreg [dreg:$0x0];
	s2 =	stileid.u32  }
0xc9: {  	s1 =	rddreg [dreg:$0x1];
	p0 =	sne.s32 s2, $0x0  }
0xca: {  	s3 =	rddreg [dreg:$0x2];
	[bflag:$0x3] =	sbarrier.arrive $0xFFFF;
	s2 =	simm.s32 @!p0 $0x1C03  }
0xcb: {  	[timem:s3], [sflag:s2] =	dma.local @!p0 [hbm:s0], s1  }
0xcc: {  	s0 =	simm.s32 @!p0 $0x3  }
0xcd: {  	_ =	swait.ge @!p0 [sflag:s0], s1  }
0xce: {  	s1 =	ssub.s32 @!p0 $0x0, s1;
	[sflag:s0] =	ssyncset.done @!p0 $0x0  }
0xcf: {  	[sflag:s0] =	ssyncadd.s32 @!p0 s1  }
0xd0: {  	[bflag:$0x3] =	sbarrier.arrive $0xFFFF  }
0xd1: {  	_ =	shalt  }

</sc_bundles>
